<compile_context>
chip_gen: v7x
topology: tpu7x:2x2x1
jax: 0.10.2.dev20260603
libtpu: 0.0.44.dev20260713+nightly
codegen_flags: <defaults>
</compile_context>

<pallas_src>
import functools

import jax
import jax.numpy as jnp
from jax import lax
from jax.experimental import pallas as pl
from jax.experimental.pallas import tpu as pltpu
from jax.experimental.pallas import tpu_sc as plsc

_NC = 2
_NS = 16
_NW = _NC * _NS

_CHUNK = 128
_GROUP = 8


def _sc_segment_sum(x_pad, zeros_pad, src3, dst3):
    n_p, d = x_pad.shape
    nw, nchunks, chunk = src3.shape
    ngroups = nchunks // _GROUP
    rows_per_tile = n_p // _NS
    init_chunk = 128
    init_steps = rows_per_tile // init_chunk

    mesh = plsc.VectorSubcoreMesh(core_axis_name="c", subcore_axis_name="s")

    @functools.partial(
        pl.kernel,
        mesh=mesh,
        out_type=jax.ShapeDtypeStruct((_NC, n_p, d), jnp.float32),
        scratch_types=[
            pltpu.VMEM((_GROUP, chunk), jnp.int32),
            pltpu.VMEM((_GROUP, chunk), jnp.int32),
            pltpu.VMEM((chunk, d), jnp.float32),
            pltpu.VMEM((chunk, d), jnp.float32),
            pltpu.VMEM_SHARED((n_p, d), jnp.float32),
            pltpu.SemaphoreType.DMA,
        ],
    )
    def k(x_hbm, z_hbm, src_hbm, dst_hbm, out_hbm,
          src_v, dst_v, rows_v, rows_w, agg_sh, sem):
        c = lax.axis_index("c")
        s = lax.axis_index("s")
        wid = c * _NS + s
        base_row = s * rows_per_tile

        def init_from(ref):
            def body(i, carry):
                r0 = base_row + i * init_chunk
                pltpu.sync_copy(ref.at[pl.ds(r0, init_chunk)], rows_v)
                pltpu.sync_copy(rows_v, agg_sh.at[pl.ds(r0, init_chunk)])
                return carry
            lax.fori_loop(0, init_steps, body, 0)

        @pl.when(c == 0)
        def _():
            init_from(x_hbm)

        @pl.when(c != 0)
        def _():
            init_from(z_hbm)

        plsc.subcore_barrier()

        def group_body(g, carry):
            pltpu.sync_copy(src_hbm.at[wid, pl.ds(g * _GROUP, _GROUP)], src_v)
            pltpu.sync_copy(dst_hbm.at[wid, pl.ds(g * _GROUP, _GROUP)], dst_v)

            bufs = [rows_v, rows_w]
            cp = pltpu.async_copy(x_hbm.at[src_v.at[0]], bufs[0], sem)
            for j in range(1, _GROUP):
                cp.wait()
                nxt = pltpu.async_copy(x_hbm.at[src_v.at[j]], bufs[j % 2], sem)
                pltpu.sync_copy(bufs[(j - 1) % 2],
                                agg_sh.at[dst_v.at[j - 1]], add=True)
                cp = nxt
            cp.wait()
            pltpu.sync_copy(bufs[(_GROUP - 1) % 2],
                            agg_sh.at[dst_v.at[_GROUP - 1]], add=True)
            return carry
        lax.fori_loop(0, ngroups, group_body, 0)

        plsc.subcore_barrier()

        def out_body(i, carry):
            r0 = base_row + i * init_chunk
            pltpu.sync_copy(agg_sh.at[pl.ds(r0, init_chunk)], rows_v)
            pltpu.sync_copy(rows_v, out_hbm.at[c, pl.ds(r0, init_chunk)])
            return carry
        lax.fori_loop(0, init_steps, out_body, 0)

    return k(x_pad, zeros_pad, src3, dst3)


def _mlp1(agg, w1, b1, n_valid):
    _, n_p, d = agg.shape
    dh = w1.shape[1]
    blk = 1024
    grid = n_p // blk

    def body(agg_ref, w1_ref, b1_ref, h1_ref, stats_ref, acc_ref):
        i = pl.program_id(0)
        h = agg_ref[0] + agg_ref[1]
        h1 = jnp.dot(h, w1_ref[...], preferred_element_type=jnp.float32)
        h1 = h1 + b1_ref[...]
        h1_ref[...] = h1
        rows = lax.broadcasted_iota(jnp.int32, (blk, 1), 0) + i * blk
        h1m = jnp.where(rows < n_valid, h1, 0.0)
        part = jnp.concatenate(
            [jnp.sum(h1m, axis=0, keepdims=True),
             jnp.sum(h1m * h1m, axis=0, keepdims=True)], axis=0)

        @pl.when(i == 0)
        def _():
            acc_ref[...] = part

        @pl.when(i > 0)
        def _():
            acc_ref[...] += part

        @pl.when(i == pl.num_programs(0) - 1)
        def _():
            stats_ref[...] = acc_ref[...]

    return pl.pallas_call(
        body,
        grid=(grid,),
        in_specs=[
            pl.BlockSpec((2, blk, d), lambda i: (0, i, 0)),
            pl.BlockSpec((d, dh), lambda i: (0, 0)),
            pl.BlockSpec((1, dh), lambda i: (0, 0)),
        ],
        out_specs=[
            pl.BlockSpec((blk, dh), lambda i: (i, 0)),
            pl.BlockSpec((2, dh), lambda i: (0, 0)),
        ],
        out_shape=[
            jax.ShapeDtypeStruct((n_p, dh), jnp.float32),
            jax.ShapeDtypeStruct((2, dh), jnp.float32),
        ],
        scratch_shapes=[pltpu.VMEM((2, dh), jnp.float32)],
    )(agg, w1, b1)


def _mlp2(h1, stats, n_valid, gamma, beta, w2, b2):
    n_p, dh = h1.shape
    do = w2.shape[1]
    blk = 1024
    grid = n_p // blk
    inv_n = 1.0 / n_valid

    def body(h1_ref, stats_ref, g_ref, be_ref, w2_ref, b2_ref, out_ref):
        mean = stats_ref[0:1, :] * inv_n
        ex2 = stats_ref[1:2, :] * inv_n
        var = ex2 - mean * mean
        scale = lax.rsqrt(var + 1e-5) * g_ref[...]
        h = (h1_ref[...] - mean) * scale + be_ref[...]
        h = jnp.maximum(h, 0.0)
        out_ref[...] = jnp.dot(h, w2_ref[...],
                               preferred_element_type=jnp.float32) + b2_ref[...]

    return pl.pallas_call(
        body,
        grid=(grid,),
        in_specs=[
            pl.BlockSpec((blk, dh), lambda i: (i, 0)),
            pl.BlockSpec((2, dh), lambda i: (0, 0)),
            pl.BlockSpec((1, dh), lambda i: (0, 0)),
            pl.BlockSpec((1, dh), lambda i: (0, 0)),
            pl.BlockSpec((dh, do), lambda i: (0, 0)),
            pl.BlockSpec((1, do), lambda i: (0, 0)),
        ],
        out_specs=pl.BlockSpec((blk, do), lambda i: (i, 0)),
        out_shape=jax.ShapeDtypeStruct((n_p, do), jnp.float32),
    )(h1, stats, gamma, beta, w2, b2)


def kernel(x, edge_index, W1, b1, gamma, beta, W2, b2):
    n, d = x.shape
    e = edge_index.shape[1]
    per_worker = e // _NW
    per_worker_p = -(-per_worker // (_CHUNK * _GROUP)) * (_CHUNK * _GROUP)
    nchunks = per_worker_p // _CHUNK
    pad_e = per_worker_p - per_worker

    n_p = -(-(n + 1) // (_NS * 128)) * (_NS * 128)
    x_pad = jnp.pad(x, ((0, n_p - n), (0, 0)))
    zeros_pad = jnp.zeros((n_p, d), jnp.float32)

    src2 = edge_index[0].reshape(_NW, per_worker)
    dst2 = edge_index[1].reshape(_NW, per_worker)
    src3 = jnp.pad(src2, ((0, 0), (0, pad_e))).reshape(_NW, nchunks, _CHUNK)
    dst3 = jnp.pad(dst2, ((0, 0), (0, pad_e)),
                   constant_values=n).reshape(_NW, nchunks, _CHUNK)

    agg = _sc_segment_sum(x_pad, zeros_pad, src3, dst3)
    h1, stats = _mlp1(agg, W1, b1.reshape(1, -1), n)
    out = _mlp2(h1, stats, n, gamma.reshape(1, -1), beta.reshape(1, -1),
                W2, b2.reshape(1, -1))
    return out[:n]

# --- scband reference (transcript-rebuilt; emitter-appended) ---
"""Pipeline reference for scband-ginconv-16604343566552 (READ-ONLY COPY).

The authoritative reference and input builder live on the scoring server;
editing this copy changes nothing except your own understanding.
"""

import jax, jax.numpy as jnp
import numpy as np

N = 10000
E = 320000
D_IN = 128
D_HID = 256
D_OUT = 128


def setup_inputs(seed: int = 0) -> dict:
    key = jax.random.key(seed)
    ks = jax.random.split(key, 8)
    x = jax.random.normal(ks[0], (N, D_IN), dtype=jnp.float32)
    edge_index = jax.random.randint(ks[1], (2, E), 0, N, dtype=jnp.int32)
    W1 = jax.random.normal(ks[2], (D_IN, D_HID), dtype=jnp.float32) * 0.05
    b1 = jnp.zeros((D_HID,), dtype=jnp.float32)
    gamma = jnp.ones((D_HID,), dtype=jnp.float32)
    beta = jnp.zeros((D_HID,), dtype=jnp.float32)
    W2 = jax.random.normal(ks[3], (D_HID, D_OUT), dtype=jnp.float32) * 0.05
    b2 = jnp.zeros((D_OUT,), dtype=jnp.float32)
    return {"x": x, "edge_index": edge_index, "W1": W1, "b1": b1,
            "gamma": gamma, "beta": beta, "W2": W2, "b2": b2}


def reference(x, edge_index, W1, b1, gamma, beta, W2, b2):
    # GINConv (train_eps=False, eps=0): h_i = (1+eps)*x_i + sum_{j in N(i)} x_j
    src = edge_index[0]
    dst = edge_index[1]
    agg = jax.ops.segment_sum(x[src], dst, num_segments=x.shape[0])
    h = x + agg
    # PyG MLP([d_in, 2*d_out, d_out]): Linear -> BatchNorm -> ReLU -> Linear (plain_last)
    h = h @ W1 + b1
    mean = jnp.mean(h, axis=0)
    var = jnp.var(h, axis=0)
    h = (h - mean) / jnp.sqrt(var + 1e-5) * gamma + beta
    h = jax.nn.relu(h)
    out = h @ W2 + b2
    return out

if __name__ == "__main__":
    import jax
    _d = setup_inputs()
    print(jax.jit(kernel)(*tuple(_d.values())))

</pallas_src>

<mosaic_0001>
#map = affine_map<(d0, d1) -> (0, 0)>
#map1 = affine_map<(d0, d1) -> (0, 0, 0)>
module attributes {stable_mosaic.version = 14 : i64} {
  func.func @k(%arg0: i32, %arg1: i32, %arg2: memref<10240x128xf32, #tpu.memory_space<hbm>>, %arg3: memref<10240x128xf32, #tpu.memory_space<hbm>>, %arg4: memref<32x80x128xi32, #tpu.memory_space<hbm>>, %arg5: memref<32x80x128xi32, #tpu.memory_space<hbm>>, %arg6: memref<2x10240x128xf32, #tpu.memory_space<hbm>>, %arg7: memref<8x128xi32, #tpu.memory_space<vmem>>, %arg8: memref<8x128xi32, #tpu.memory_space<vmem>>, %arg9: memref<128x128xf32, #tpu.memory_space<vmem>>, %arg10: memref<128x128xf32, #tpu.memory_space<vmem>>, %arg11: memref<10240x128xf32, #tpu.memory_space<vmem_shared>>, %arg12: memref<!tpu.dma_semaphore, #tpu.memory_space<semaphore_mem>>) attributes {dimension_semantics = [#tpu.dimension_semantics<core_parallel>, #tpu.dimension_semantics<subcore_parallel>], iteration_bounds = array<i64: 2, 16>, scalar_prefetch = 0 : i64, scratch_operands = 6 : i64, tpu.core_type = #tpu.core_type<sc_vector_subcore>, window_params = [{transform_indices = #map}, {transform_indices = #map}, {transform_indices = #map1}, {transform_indices = #map1}, {transform_indices = #map1}]} {
    %mul3A = arith.constant 16 : i32
    %mul3A_0 = arith.muli %arg0, %mul3A : i32
    %add3A = arith.addi %mul3A_0, %arg1 : i32
    %mul3A_1 = arith.constant 640 : i32
    %mul3A_2 = arith.muli %arg1, %mul3A_1 : i32
    %eq3A = arith.constant 0 : i32
    %eq3A_3 = arith.cmpi eq, %arg0, %eq3A : i32
    %convert_element_type3A = arith.extui %eq3A_3 : i1 to i32
    %cond3A = arith.constant 0 : i32
    %cond3A_4 = arith.cmpi ne, %convert_element_type3A, %cond3A : i32
    scf.if %cond3A_4 {
      %scan3A_21 = arith.constant 0 : i32
      %scan3A_22 = arith.constant 0 : i32
      %scan3A_23 = arith.constant 5 : i32
      %scan3A_24 = arith.addi %scan3A_22, %scan3A_23 : i32
      %scan3A_25 = arith.constant 1 : i32
      scf.for %scan3A_27 = %scan3A_22 to %scan3A_24 step %scan3A_25  : i32 {
        %mul3A_28 = arith.constant 128 : i32
        %mul3A_29 = arith.muli %scan3A_27, %mul3A_28 : i32
        %add3A_30 = arith.addi %mul3A_2, %mul3A_29 : i32
        "tpu.region"() ({
          %run_scoped3A = tpu.sem_alloc : memref<!tpu.dma_semaphore, #tpu.memory_space<semaphore_mem>>
          %dma_start3A = arith.constant 0 : i32
          %dma_start3A_31 = tpu.memref_slice %arg2[%add3A_30, %dma_start3A] : memref<10240x128xf32, #tpu.memory_space<hbm>> -> memref<128x128xf32, #tpu.memory_space<hbm>>
          %dma_start3A_32 = arith.constant 0 : i32
          %dma_start3A_33 = tpu.memref_slice %arg2[%add3A_30, %dma_start3A_32] : memref<10240x128xf32, #tpu.memory_space<hbm>> -> memref<128x128xf32, #tpu.memory_space<hbm>>
          tpu.enqueue_dma source(%dma_start3A_33 : memref<128x128xf32, #tpu.memory_space<hbm>>) target(%arg9 : memref<128x128xf32, #tpu.memory_space<vmem>>) target_semaphore(%run_scoped3A : memref<!tpu.dma_semaphore, #tpu.memory_space<semaphore_mem>>)
          %dma_wait3A = arith.constant 0 : i32
          %dma_wait3A_34 = tpu.memref_slice %arg2[%add3A_30, %dma_wait3A] : memref<10240x128xf32, #tpu.memory_space<hbm>> -> memref<128x128xf32, #tpu.memory_space<hbm>>
          %dma_wait3A_35 = arith.constant 0 : i32
          %dma_wait3A_36 = tpu.memref_slice %arg2[%add3A_30, %dma_wait3A_35] : memref<10240x128xf32, #tpu.memory_space<hbm>> -> memref<128x128xf32, #tpu.memory_space<hbm>>
          tpu.wait_dma2 semaphore(%run_scoped3A : memref<!tpu.dma_semaphore, #tpu.memory_space<semaphore_mem>>) src(%dma_wait3A_36 : memref<128x128xf32, #tpu.memory_space<hbm>>) dst(%arg9 : memref<128x128xf32, #tpu.memory_space<vmem>>)
          tpu.yield
        }) : () -> ()
        "tpu.region"() ({
          %run_scoped3A = tpu.sem_alloc : memref<!tpu.dma_semaphore, #tpu.memory_space<semaphore_mem>>
          %dma_start3A = arith.constant 0 : i32
          %dma_start3A_31 = tpu.memref_slice %arg11[%add3A_30, %dma_start3A] : memref<10240x128xf32, #tpu.memory_space<vmem_shared>> -> memref<128x128xf32, #tpu.memory_space<vmem_shared>>
          %dma_start3A_32 = arith.constant 0 : i32
          %dma_start3A_33 = tpu.memref_slice %arg11[%add3A_30, %dma_start3A_32] : memref<10240x128xf32, #tpu.memory_space<vmem_shared>> -> memref<128x128xf32, #tpu.memory_space<vmem_shared>>
          tpu.enqueue_dma source(%arg9 : memref<128x128xf32, #tpu.memory_space<vmem>>) target(%dma_start3A_33 : memref<128x128xf32, #tpu.memory_space<vmem_shared>>) target_semaphore(%run_scoped3A : memref<!tpu.dma_semaphore, #tpu.memory_space<semaphore_mem>>)
          %dma_wait3A = arith.constant 0 : i32
          %dma_wait3A_34 = tpu.memref_slice %arg11[%add3A_30, %dma_wait3A] : memref<10240x128xf32, #tpu.memory_space<vmem_shared>> -> memref<128x128xf32, #tpu.memory_space<vmem_shared>>
          %dma_wait3A_35 = arith.constant 0 : i32
          %dma_wait3A_36 = tpu.memref_slice %arg11[%add3A_30, %dma_wait3A_35] : memref<10240x128xf32, #tpu.memory_space<vmem_shared>> -> memref<128x128xf32, #tpu.memory_space<vmem_shared>>
          tpu.wait_dma2 semaphore(%run_scoped3A : memref<!tpu.dma_semaphore, #tpu.memory_space<semaphore_mem>>) src(%arg9 : memref<128x128xf32, #tpu.memory_space<vmem>>) dst(%dma_wait3A_36 : memref<128x128xf32, #tpu.memory_space<vmem_shared>>)
          tpu.yield
        }) : () -> ()
      }
      %scan3A_26 = arith.constant 5 : i32
    } else {
    }
    %ne3A = arith.constant 0 : i32
    %ne3A_5 = arith.cmpi ne, %arg0, %ne3A : i32
    %convert_element_type3A_6 = arith.extui %ne3A_5 : i1 to i32
    %cond3A_7 = arith.constant 0 : i32
    %cond3A_8 = arith.cmpi ne, %convert_element_type3A_6, %cond3A_7 : i32
    scf.if %cond3A_8 {
      %scan3A_21 = arith.constant 0 : i32
      %scan3A_22 = arith.constant 0 : i32
      %scan3A_23 = arith.constant 5 : i32
      %scan3A_24 = arith.addi %scan3A_22, %scan3A_23 : i32
      %scan3A_25 = arith.constant 1 : i32
      scf.for %scan3A_27 = %scan3A_22 to %scan3A_24 step %scan3A_25  : i32 {
        %mul3A_28 = arith.constant 128 : i32
        %mul3A_29 = arith.muli %scan3A_27, %mul3A_28 : i32
        %add3A_30 = arith.addi %mul3A_2, %mul3A_29 : i32
        "tpu.region"() ({
          %run_scoped3A = tpu.sem_alloc : memref<!tpu.dma_semaphore, #tpu.memory_space<semaphore_mem>>
          %dma_start3A = arith.constant 0 : i32
          %dma_start3A_31 = tpu.memref_slice %arg3[%add3A_30, %dma_start3A] : memref<10240x128xf32, #tpu.memory_space<hbm>> -> memref<128x128xf32, #tpu.memory_space<hbm>>
          %dma_start3A_32 = arith.constant 0 : i32
          %dma_start3A_33 = tpu.memref_slice %arg3[%add3A_30, %dma_start3A_32] : memref<10240x128xf32, #tpu.memory_space<hbm>> -> memref<128x128xf32, #tpu.memory_space<hbm>>
          tpu.enqueue_dma source(%dma_start3A_33 : memref<128x128xf32, #tpu.memory_space<hbm>>) target(%arg9 : memref<128x128xf32, #tpu.memory_space<vmem>>) target_semaphore(%run_scoped3A : memref<!tpu.dma_semaphore, #tpu.memory_space<semaphore_mem>>)
          %dma_wait3A = arith.constant 0 : i32
          %dma_wait3A_34 = tpu.memref_slice %arg3[%add3A_30, %dma_wait3A] : memref<10240x128xf32, #tpu.memory_space<hbm>> -> memref<128x128xf32, #tpu.memory_space<hbm>>
          %dma_wait3A_35 = arith.constant 0 : i32
          %dma_wait3A_36 = tpu.memref_slice %arg3[%add3A_30, %dma_wait3A_35] : memref<10240x128xf32, #tpu.memory_space<hbm>> -> memref<128x128xf32, #tpu.memory_space<hbm>>
          tpu.wait_dma2 semaphore(%run_scoped3A : memref<!tpu.dma_semaphore, #tpu.memory_space<semaphore_mem>>) src(%dma_wait3A_36 : memref<128x128xf32, #tpu.memory_space<hbm>>) dst(%arg9 : memref<128x128xf32, #tpu.memory_space<vmem>>)
          tpu.yield
        }) : () -> ()
        "tpu.region"() ({
          %run_scoped3A = tpu.sem_alloc : memref<!tpu.dma_semaphore, #tpu.memory_space<semaphore_mem>>
          %dma_start3A = arith.constant 0 : i32
          %dma_start3A_31 = tpu.memref_slice %arg11[%add3A_30, %dma_start3A] : memref<10240x128xf32, #tpu.memory_space<vmem_shared>> -> memref<128x128xf32, #tpu.memory_space<vmem_shared>>
          %dma_start3A_32 = arith.constant 0 : i32
          %dma_start3A_33 = tpu.memref_slice %arg11[%add3A_30, %dma_start3A_32] : memref<10240x128xf32, #tpu.memory_space<vmem_shared>> -> memref<128x128xf32, #tpu.memory_space<vmem_shared>>
          tpu.enqueue_dma source(%arg9 : memref<128x128xf32, #tpu.memory_space<vmem>>) target(%dma_start3A_33 : memref<128x128xf32, #tpu.memory_space<vmem_shared>>) target_semaphore(%run_scoped3A : memref<!tpu.dma_semaphore, #tpu.memory_space<semaphore_mem>>)
          %dma_wait3A = arith.constant 0 : i32
          %dma_wait3A_34 = tpu.memref_slice %arg11[%add3A_30, %dma_wait3A] : memref<10240x128xf32, #tpu.memory_space<vmem_shared>> -> memref<128x128xf32, #tpu.memory_space<vmem_shared>>
          %dma_wait3A_35 = arith.constant 0 : i32
          %dma_wait3A_36 = tpu.memref_slice %arg11[%add3A_30, %dma_wait3A_35] : memref<10240x128xf32, #tpu.memory_space<vmem_shared>> -> memref<128x128xf32, #tpu.memory_space<vmem_shared>>
          tpu.wait_dma2 semaphore(%run_scoped3A : memref<!tpu.dma_semaphore, #tpu.memory_space<semaphore_mem>>) src(%arg9 : memref<128x128xf32, #tpu.memory_space<vmem>>) dst(%dma_wait3A_36 : memref<128x128xf32, #tpu.memory_space<vmem_shared>>)
          tpu.yield
        }) : () -> ()
      }
      %scan3A_26 = arith.constant 5 : i32
    } else {
    }
    %barrier3A = arith.constant 0 : index
    tpu.barrier barrier_id(%barrier3A)
    %scan3A = arith.constant 0 : i32
    %scan3A_9 = arith.constant 0 : i32
    %scan3A_10 = arith.constant 10 : i32
    %scan3A_11 = arith.addi %scan3A_9, %scan3A_10 : i32
    %scan3A_12 = arith.constant 1 : i32
    scf.for %scan3A_21 = %scan3A_9 to %scan3A_11 step %scan3A_12  : i32 {
      %mul3A_22 = arith.constant 8 : i32
      %mul3A_23 = arith.muli %scan3A_21, %mul3A_22 : i32
      "tpu.region"() ({
        %run_scoped3A_143 = tpu.sem_alloc : memref<!tpu.dma_semaphore, #tpu.memory_space<semaphore_mem>>
        %dma_start3A_144 = arith.constant 0 : i32
        %dma_start3A_145 = tpu.memref_slice %arg4[%add3A, %mul3A_23, %dma_start3A_144] : memref<32x80x128xi32, #tpu.memory_space<hbm>> -> memref<1x8x128xi32, #tpu.memory_space<hbm>>
        %dma_start3A_146 = tpu.memref_squeeze %dma_start3A_145 : memref<1x8x128xi32, #tpu.memory_space<hbm>> -> memref<8x128xi32, #tpu.memory_space<hbm>>
        %dma_start3A_147 = arith.constant 0 : i32
        %dma_start3A_148 = tpu.memref_slice %arg4[%add3A, %mul3A_23, %dma_start3A_147] : memref<32x80x128xi32, #tpu.memory_space<hbm>> -> memref<1x8x128xi32, #tpu.memory_space<hbm>>
        %dma_start3A_149 = tpu.memref_squeeze %dma_start3A_148 : memref<1x8x128xi32, #tpu.memory_space<hbm>> -> memref<8x128xi32, #tpu.memory_space<hbm>>
        tpu.enqueue_dma source(%dma_start3A_149 : memref<8x128xi32, #tpu.memory_space<hbm>>) target(%arg7 : memref<8x128xi32, #tpu.memory_space<vmem>>) target_semaphore(%run_scoped3A_143 : memref<!tpu.dma_semaphore, #tpu.memory_space<semaphore_mem>>)
        %dma_wait3A_150 = arith.constant 0 : i32
        %dma_wait3A_151 = tpu.memref_slice %arg4[%add3A, %mul3A_23, %dma_wait3A_150] : memref<32x80x128xi32, #tpu.memory_space<hbm>> -> memref<1x8x128xi32, #tpu.memory_space<hbm>>
        %dma_wait3A_152 = tpu.memref_squeeze %dma_wait3A_151 : memref<1x8x128xi32, #tpu.memory_space<hbm>> -> memref<8x128xi32, #tpu.memory_space<hbm>>
        %dma_wait3A_153 = arith.constant 0 : i32
        %dma_wait3A_154 = tpu.memref_slice %arg4[%add3A, %mul3A_23, %dma_wait3A_153] : memref<32x80x128xi32, #tpu.memory_space<hbm>> -> memref<1x8x128xi32, #tpu.memory_space<hbm>>
        %dma_wait3A_155 = tpu.memref_squeeze %dma_wait3A_154 : memref<1x8x128xi32, #tpu.memory_space<hbm>> -> memref<8x128xi32, #tpu.memory_space<hbm>>
        tpu.wait_dma2 semaphore(%run_scoped3A_143 : memref<!tpu.dma_semaphore, #tpu.memory_space<semaphore_mem>>) src(%dma_wait3A_155 : memref<8x128xi32, #tpu.memory_space<hbm>>) dst(%arg7 : memref<8x128xi32, #tpu.memory_space<vmem>>)
        tpu.yield
      }) : () -> ()
      %mul3A_24 = arith.constant 8 : i32
      %mul3A_25 = arith.muli %scan3A_21, %mul3A_24 : i32
      "tpu.region"() ({
        %run_scoped3A_143 = tpu.sem_alloc : memref<!tpu.dma_semaphore, #tpu.memory_space<semaphore_mem>>
        %dma_start3A_144 = arith.constant 0 : i32
        %dma_start3A_145 = tpu.memref_slice %arg5[%add3A, %mul3A_25, %dma_start3A_144] : memref<32x80x128xi32, #tpu.memory_space<hbm>> -> memref<1x8x128xi32, #tpu.memory_space<hbm>>
        %dma_start3A_146 = tpu.memref_squeeze %dma_start3A_145 : memref<1x8x128xi32, #tpu.memory_space<hbm>> -> memref<8x128xi32, #tpu.memory_space<hbm>>
        %dma_start3A_147 = arith.constant 0 : i32
        %dma_start3A_148 = tpu.memref_slice %arg5[%add3A, %mul3A_25, %dma_start3A_147] : memref<32x80x128xi32, #tpu.memory_space<hbm>> -> memref<1x8x128xi32, #tpu.memory_space<hbm>>
        %dma_start3A_149 = tpu.memref_squeeze %dma_start3A_148 : memref<1x8x128xi32, #tpu.memory_space<hbm>> -> memref<8x128xi32, #tpu.memory_space<hbm>>
        tpu.enqueue_dma source(%dma_start3A_149 : memref<8x128xi32, #tpu.memory_space<hbm>>) target(%arg8 : memref<8x128xi32, #tpu.memory_space<vmem>>) target_semaphore(%run_scoped3A_143 : memref<!tpu.dma_semaphore, #tpu.memory_space<semaphore_mem>>)
        %dma_wait3A_150 = arith.constant 0 : i32
        %dma_wait3A_151 = tpu.memref_slice %arg5[%add3A, %mul3A_25, %dma_wait3A_150] : memref<32x80x128xi32, #tpu.memory_space<hbm>> -> memref<1x8x128xi32, #tpu.memory_space<hbm>>
        %dma_wait3A_152 = tpu.memref_squeeze %dma_wait3A_151 : memref<1x8x128xi32, #tpu.memory_space<hbm>> -> memref<8x128xi32, #tpu.memory_space<hbm>>
        %dma_wait3A_153 = arith.constant 0 : i32
        %dma_wait3A_154 = tpu.memref_slice %arg5[%add3A, %mul3A_25, %dma_wait3A_153] : memref<32x80x128xi32, #tpu.memory_space<hbm>> -> memref<1x8x128xi32, #tpu.memory_space<hbm>>
        %dma_wait3A_155 = tpu.memref_squeeze %dma_wait3A_154 : memref<1x8x128xi32, #tpu.memory_space<hbm>> -> memref<8x128xi32, #tpu.memory_space<hbm>>
        tpu.wait_dma2 semaphore(%run_scoped3A_143 : memref<!tpu.dma_semaphore, #tpu.memory_space<semaphore_mem>>) src(%dma_wait3A_155 : memref<8x128xi32, #tpu.memory_space<hbm>>) dst(%arg8 : memref<8x128xi32, #tpu.memory_space<vmem>>)
        tpu.yield
      }) : () -> ()
      %dma_start3A = arith.constant 0 : i32
      %dma_start3A_26 = arith.constant 0 : i32
      %dma_start3A_27 = tpu.memref_slice %arg7[%dma_start3A, %dma_start3A_26] : memref<8x128xi32, #tpu.memory_space<vmem>> -> memref<1x128xi32, #tpu.memory_space<vmem>>
      %dma_start3A_28 = tpu.memref_squeeze %dma_start3A_27 : memref<1x128xi32, #tpu.memory_space<vmem>> -> memref<128xi32, #tpu.memory_space<vmem>>
      %dma_start3A_29 = arith.constant 0 : i32
      %dma_start3A_30 = arith.constant 0 : i32
      %dma_start3A_31 = tpu.memref_slice %arg2[%dma_start3A_29, %dma_start3A_30] : memref<10240x128xf32, #tpu.memory_space<hbm>> -> memref<10240x128xf32, #tpu.memory_space<hbm>>
      tpu.enqueue_indirect_dma source(%dma_start3A_31 : memref<10240x128xf32, #tpu.memory_space<hbm>>) target(%arg9 : memref<128x128xf32, #tpu.memory_space<vmem>>) offsets(%dma_start3A_28 : memref<128xi32, #tpu.memory_space<vmem>>) semaphore(%arg12 : memref<!tpu.dma_semaphore, #tpu.memory_space<semaphore_mem>>)
      %dma_wait3A = arith.constant 0 : i32
      %dma_wait3A_32 = arith.constant 0 : i32
      %dma_wait3A_33 = tpu.memref_slice %arg7[%dma_wait3A, %dma_wait3A_32] : memref<8x128xi32, #tpu.memory_space<vmem>> -> memref<1x128xi32, #tpu.memory_space<vmem>>
      %dma_wait3A_34 = tpu.memref_squeeze %dma_wait3A_33 : memref<1x128xi32, #tpu.memory_space<vmem>> -> memref<128xi32, #tpu.memory_space<vmem>>
      %dma_wait3A_35 = arith.constant 0 : i32
      %dma_wait3A_36 = arith.constant 0 : i32
      %dma_wait3A_37 = tpu.memref_slice %arg2[%dma_wait3A_35, %dma_wait3A_36] : memref<10240x128xf32, #tpu.memory_space<hbm>> -> memref<10240x128xf32, #tpu.memory_space<hbm>>
      tpu.wait_indirect_dma semaphore(%arg12 : memref<!tpu.dma_semaphore, #tpu.memory_space<semaphore_mem>>) src(%dma_wait3A_37 : memref<10240x128xf32, #tpu.memory_space<hbm>>) dst(%arg9 : memref<128x128xf32, #tpu.memory_space<vmem>>)
      %dma_start3A_38 = arith.constant 1 : i32
      %dma_start3A_39 = arith.constant 0 : i32
      %dma_start3A_40 = tpu.memref_slice %arg7[%dma_start3A_38, %dma_start3A_39] : memref<8x128xi32, #tpu.memory_space<vmem>> -> memref<1x128xi32, #tpu.memory_space<vmem>>
      %dma_start3A_41 = tpu.memref_squeeze %dma_start3A_40 : memref<1x128xi32, #tpu.memory_space<vmem>> -> memref<128xi32, #tpu.memory_space<vmem>>
      %dma_start3A_42 = arith.constant 0 : i32
      %dma_start3A_43 = arith.constant 0 : i32
      %dma_start3A_44 = tpu.memref_slice %arg2[%dma_start3A_42, %dma_start3A_43] : memref<10240x128xf32, #tpu.memory_space<hbm>> -> memref<10240x128xf32, #tpu.memory_space<hbm>>
      tpu.enqueue_indirect_dma source(%dma_start3A_44 : memref<10240x128xf32, #tpu.memory_space<hbm>>) target(%arg10 : memref<128x128xf32, #tpu.memory_space<vmem>>) offsets(%dma_start3A_41 : memref<128xi32, #tpu.memory_space<vmem>>) semaphore(%arg12 : memref<!tpu.dma_semaphore, #tpu.memory_space<semaphore_mem>>)
      %run_scoped3A = arith.constant 0 : i32
      "tpu.region"() ({
        %run_scoped3A_143 = tpu.sem_alloc : memref<!tpu.dma_semaphore, #tpu.memory_space<semaphore_mem>>
        %dma_start3A_144 = arith.constant 0 : i32
        %dma_start3A_145 = tpu.memref_slice %arg8[%run_scoped3A, %dma_start3A_144] : memref<8x128xi32, #tpu.memory_space<vmem>> -> memref<1x128xi32, #tpu.memory_space<vmem>>
        %dma_start3A_146 = tpu.memref_squeeze %dma_start3A_145 : memref<1x128xi32, #tpu.memory_space<vmem>> -> memref<128xi32, #tpu.memory_space<vmem>>
        %dma_start3A_147 = arith.constant 0 : i32
        %dma_start3A_148 = arith.constant 0 : i32
        %dma_start3A_149 = tpu.memref_slice %arg11[%dma_start3A_147, %dma_start3A_148] : memref<10240x128xf32, #tpu.memory_space<vmem_shared>> -> memref<10240x128xf32, #tpu.memory_space<vmem_shared>>
        tpu.enqueue_indirect_dma source(%arg9 : memref<128x128xf32, #tpu.memory_space<vmem>>) target(%dma_start3A_149 : memref<10240x128xf32, #tpu.memory_space<vmem_shared>>) offsets(%dma_start3A_146 : memref<128xi32, #tpu.memory_space<vmem>>) semaphore(%run_scoped3A_143 : memref<!tpu.dma_semaphore, #tpu.memory_space<semaphore_mem>>) {add = true}
        %dma_wait3A_150 = arith.constant 0 : i32
        %dma_wait3A_151 = tpu.memref_slice %arg8[%run_scoped3A, %dma_wait3A_150] : memref<8x128xi32, #tpu.memory_space<vmem>> -> memref<1x128xi32, #tpu.memory_space<vmem>>
        %dma_wait3A_152 = tpu.memref_squeeze %dma_wait3A_151 : memref<1x128xi32, #tpu.memory_space<vmem>> -> memref<128xi32, #tpu.memory_space<vmem>>
        %dma_wait3A_153 = arith.constant 0 : i32
        %dma_wait3A_154 = arith.constant 0 : i32
        %dma_wait3A_155 = tpu.memref_slice %arg11[%dma_wait3A_153, %dma_wait3A_154] : memref<10240x128xf32, #tpu.memory_space<vmem_shared>> -> memref<10240x128xf32, #tpu.memory_space<vmem_shared>>
        tpu.wait_indirect_dma semaphore(%run_scoped3A_143 : memref<!tpu.dma_semaphore, #tpu.memory_space<semaphore_mem>>) src(%arg9 : memref<128x128xf32, #tpu.memory_space<vmem>>) dst(%dma_wait3A_155 : memref<10240x128xf32, #tpu.memory_space<vmem_shared>>)
        tpu.yield
      }) : () -> ()
      %dma_wait3A_45 = arith.constant 1 : i32
      %dma_wait3A_46 = arith.constant 0 : i32
      %dma_wait3A_47 = tpu.memref_slice %arg7[%dma_wait3A_45, %dma_wait3A_46] : memref<8x128xi32, #tpu.memory_space<vmem>> -> memref<1x128xi32, #tpu.memory_space<vmem>>
      %dma_wait3A_48 = tpu.memref_squeeze %dma_wait3A_47 : memref<1x128xi32, #tpu.memory_space<vmem>> -> memref<128xi32, #tpu.memory_space<vmem>>
      %dma_wait3A_49 = arith.constant 0 : i32
      %dma_wait3A_50 = arith.constant 0 : i32
      %dma_wait3A_51 = tpu.memref_slice %arg2[%dma_wait3A_49, %dma_wait3A_50] : memref<10240x128xf32, #tpu.memory_space<hbm>> -> memref<10240x128xf32, #tpu.memory_space<hbm>>
      tpu.wait_indirect_dma semaphore(%arg12 : memref<!tpu.dma_semaphore, #tpu.memory_space<semaphore_mem>>) src(%dma_wait3A_51 : memref<10240x128xf32, #tpu.memory_space<hbm>>) dst(%arg10 : memref<128x128xf32, #tpu.memory_space<vmem>>)
      %dma_start3A_52 = arith.constant 2 : i32
      %dma_start3A_53 = arith.constant 0 : i32
      %dma_start3A_54 = tpu.memref_slice %arg7[%dma_start3A_52, %dma_start3A_53] : memref<8x128xi32, #tpu.memory_space<vmem>> -> memref<1x128xi32, #tpu.memory_space<vmem>>
      %dma_start3A_55 = tpu.memref_squeeze %dma_start3A_54 : memref<1x128xi32, #tpu.memory_space<vmem>> -> memref<128xi32, #tpu.memory_space<vmem>>
      %dma_start3A_56 = arith.constant 0 : i32
      %dma_start3A_57 = arith.constant 0 : i32
      %dma_start3A_58 = tpu.memref_slice %arg2[%dma_start3A_56, %dma_start3A_57] : memref<10240x128xf32, #tpu.memory_space<hbm>> -> memref<10240x128xf32, #tpu.memory_space<hbm>>
      tpu.enqueue_indirect_dma source(%dma_start3A_58 : memref<10240x128xf32, #tpu.memory_space<hbm>>) target(%arg9 : memref<128x128xf32, #tpu.memory_space<vmem>>) offsets(%dma_start3A_55 : memref<128xi32, #tpu.memory_space<vmem>>) semaphore(%arg12 : memref<!tpu.dma_semaphore, #tpu.memory_space<semaphore_mem>>)
      %run_scoped3A_59 = arith.constant 1 : i32
      "tpu.region"() ({
        %run_scoped3A_143 = tpu.sem_alloc : memref<!tpu.dma_semaphore, #tpu.memory_space<semaphore_mem>>
        %dma_start3A_144 = arith.constant 0 : i32
        %dma_start3A_145 = tpu.memref_slice %arg8[%run_scoped3A_59, %dma_start3A_144] : memref<8x128xi32, #tpu.memory_space<vmem>> -> memref<1x128xi32, #tpu.memory_space<vmem>>
        %dma_start3A_146 = tpu.memref_squeeze %dma_start3A_145 : memref<1x128xi32, #tpu.memory_space<vmem>> -> memref<128xi32, #tpu.memory_space<vmem>>
        %dma_start3A_147 = arith.constant 0 : i32
        %dma_start3A_148 = arith.constant 0 : i32
        %dma_start3A_149 = tpu.memref_slice %arg11[%dma_start3A_147, %dma_start3A_148] : memref<10240x128xf32, #tpu.memory_space<vmem_shared>> -> memref<10240x128xf32, #tpu.memory_space<vmem_shared>>
        tpu.enqueue_indirect_dma source(%arg10 : memref<128x128xf32, #tpu.memory_space<vmem>>) target(%dma_start3A_149 : memref<10240x128xf32, #tpu.memory_space<vmem_shared>>) offsets(%dma_start3A_146 : memref<128xi32, #tpu.memory_space<vmem>>) semaphore(%run_scoped3A_143 : memref<!tpu.dma_semaphore, #tpu.memory_space<semaphore_mem>>) {add = true}
        %dma_wait3A_150 = arith.constant 0 : i32
        %dma_wait3A_151 = tpu.memref_slice %arg8[%run_scoped3A_59, %dma_wait3A_150] : memref<8x128xi32, #tpu.memory_space<vmem>> -> memref<1x128xi32, #tpu.memory_space<vmem>>
        %dma_wait3A_152 = tpu.memref_squeeze %dma_wait3A_151 : memref<1x128xi32, #tpu.memory_space<vmem>> -> memref<128xi32, #tpu.memory_space<vmem>>
        %dma_wait3A_153 = arith.constant 0 : i32
        %dma_wait3A_154 = arith.constant 0 : i32
        %dma_wait3A_155 = tpu.memref_slice %arg11[%dma_wait3A_153, %dma_wait3A_154] : memref<10240x128xf32, #tpu.memory_space<vmem_shared>> -> memref<10240x128xf32, #tpu.memory_space<vmem_shared>>
        tpu.wait_indirect_dma semaphore(%run_scoped3A_143 : memref<!tpu.dma_semaphore, #tpu.memory_space<semaphore_mem>>) src(%arg10 : memref<128x128xf32, #tpu.memory_space<vmem>>) dst(%dma_wait3A_155 : memref<10240x128xf32, #tpu.memory_space<vmem_shared>>)
        tpu.yield
      }) : () -> ()
      %dma_wait3A_60 = arith.constant 2 : i32
      %dma_wait3A_61 = arith.constant 0 : i32
      %dma_wait3A_62 = tpu.memref_slice %arg7[%dma_wait3A_60, %dma_wait3A_61] : memref<8x128xi32, #tpu.memory_space<vmem>> -> memref<1x128xi32, #tpu.memory_space<vmem>>
      %dma_wait3A_63 = tpu.memref_squeeze %dma_wait3A_62 : memref<1x128xi32, #tpu.memory_space<vmem>> -> memref<128xi32, #tpu.memory_space<vmem>>
      %dma_wait3A_64 = arith.constant 0 : i32
      %dma_wait3A_65 = arith.constant 0 : i32
      %dma_wait3A_66 = tpu.memref_slice %arg2[%dma_wait3A_64, %dma_wait3A_65] : memref<10240x128xf32, #tpu.memory_space<hbm>> -> memref<10240x128xf32, #tpu.memory_space<hbm>>
      tpu.wait_indirect_dma semaphore(%arg12 : memref<!tpu.dma_semaphore, #tpu.memory_space<semaphore_mem>>) src(%dma_wait3A_66 : memref<10240x128xf32, #tpu.memory_space<hbm>>) dst(%arg9 : memref<128x128xf32, #tpu.memory_space<vmem>>)
      %dma_start3A_67 = arith.constant 3 : i32
      %dma_start3A_68 = arith.constant 0 : i32
      %dma_start3A_69 = tpu.memref_slice %arg7[%dma_start3A_67, %dma_start3A_68] : memref<8x128xi32, #tpu.memory_space<vmem>> -> memref<1x128xi32, #tpu.memory_space<vmem>>
      %dma_start3A_70 = tpu.memref_squeeze %dma_start3A_69 : memref<1x128xi32, #tpu.memory_space<vmem>> -> memref<128xi32, #tpu.memory_space<vmem>>
      %dma_start3A_71 = arith.constant 0 : i32
      %dma_start3A_72 = arith.constant 0 : i32
      %dma_start3A_73 = tpu.memref_slice %arg2[%dma_start3A_71, %dma_start3A_72] : memref<10240x128xf32, #tpu.memory_space<hbm>> -> memref<10240x128xf32, #tpu.memory_space<hbm>>
      tpu.enqueue_indirect_dma source(%dma_start3A_73 : memref<10240x128xf32, #tpu.memory_space<hbm>>) target(%arg10 : memref<128x128xf32, #tpu.memory_space<vmem>>) offsets(%dma_start3A_70 : memref<128xi32, #tpu.memory_space<vmem>>) semaphore(%arg12 : memref<!tpu.dma_semaphore, #tpu.memory_space<semaphore_mem>>)
      %run_scoped3A_74 = arith.constant 2 : i32
      "tpu.region"() ({
        %run_scoped3A_143 = tpu.sem_alloc : memref<!tpu.dma_semaphore, #tpu.memory_space<semaphore_mem>>
        %dma_start3A_144 = arith.constant 0 : i32
        %dma_start3A_145 = tpu.memref_slice %arg8[%run_scoped3A_74, %dma_start3A_144] : memref<8x128xi32, #tpu.memory_space<vmem>> -> memref<1x128xi32, #tpu.memory_space<vmem>>
        %dma_start3A_146 = tpu.memref_squeeze %dma_start3A_145 : memref<1x128xi32, #tpu.memory_space<vmem>> -> memref<128xi32, #tpu.memory_space<vmem>>
        %dma_start3A_147 = arith.constant 0 : i32
        %dma_start3A_148 = arith.constant 0 : i32
        %dma_start3A_149 = tpu.memref_slice %arg11[%dma_start3A_147, %dma_start3A_148] : memref<10240x128xf32, #tpu.memory_space<vmem_shared>> -> memref<10240x128xf32, #tpu.memory_space<vmem_shared>>
        tpu.enqueue_indirect_dma source(%arg9 : memref<128x128xf32, #tpu.memory_space<vmem>>) target(%dma_start3A_149 : memref<10240x128xf32, #tpu.memory_space<vmem_shared>>) offsets(%dma_start3A_146 : memref<128xi32, #tpu.memory_space<vmem>>) semaphore(%run_scoped3A_143 : memref<!tpu.dma_semaphore, #tpu.memory_space<semaphore_mem>>) {add = true}
        %dma_wait3A_150 = arith.constant 0 : i32
        %dma_wait3A_151 = tpu.memref_slice %arg8[%run_scoped3A_74, %dma_wait3A_150] : memref<8x128xi32, #tpu.memory_space<vmem>> -> memref<1x128xi32, #tpu.memory_space<vmem>>
        %dma_wait3A_152 = tpu.memref_squeeze %dma_wait3A_151 : memref<1x128xi32, #tpu.memory_space<vmem>> -> memref<128xi32, #tpu.memory_space<vmem>>
        %dma_wait3A_153 = arith.constant 0 : i32
        %dma_wait3A_154 = arith.constant 0 : i32
        %dma_wait3A_155 = tpu.memref_slice %arg11[%dma_wait3A_153, %dma_wait3A_154] : memref<10240x128xf32, #tpu.memory_space<vmem_shared>> -> memref<10240x128xf32, #tpu.memory_space<vmem_shared>>
        tpu.wait_indirect_dma semaphore(%run_scoped3A_143 : memref<!tpu.dma_semaphore, #tpu.memory_space<semaphore_mem>>) src(%arg9 : memref<128x128xf32, #tpu.memory_space<vmem>>) dst(%dma_wait3A_155 : memref<10240x128xf32, #tpu.memory_space<vmem_shared>>)
        tpu.yield
      }) : () -> ()
      %dma_wait3A_75 = arith.constant 3 : i32
      %dma_wait3A_76 = arith.constant 0 : i32
      %dma_wait3A_77 = tpu.memref_slice %arg7[%dma_wait3A_75, %dma_wait3A_76] : memref<8x128xi32, #tpu.memory_space<vmem>> -> memref<1x128xi32, #tpu.memory_space<vmem>>
      %dma_wait3A_78 = tpu.memref_squeeze %dma_wait3A_77 : memref<1x128xi32, #tpu.memory_space<vmem>> -> memref<128xi32, #tpu.memory_space<vmem>>
      %dma_wait3A_79 = arith.constant 0 : i32
      %dma_wait3A_80 = arith.constant 0 : i32
      %dma_wait3A_81 = tpu.memref_slice %arg2[%dma_wait3A_79, %dma_wait3A_80] : memref<10240x128xf32, #tpu.memory_space<hbm>> -> memref<10240x128xf32, #tpu.memory_space<hbm>>
      tpu.wait_indirect_dma semaphore(%arg12 : memref<!tpu.dma_semaphore, #tpu.memory_space<semaphore_mem>>) src(%dma_wait3A_81 : memref<10240x128xf32, #tpu.memory_space<hbm>>) dst(%arg10 : memref<128x128xf32, #tpu.memory_space<vmem>>)
      %dma_start3A_82 = arith.constant 4 : i32
      %dma_start3A_83 = arith.constant 0 : i32
      %dma_start3A_84 = tpu.memref_slice %arg7[%dma_start3A_82, %dma_start3A_83] : memref<8x128xi32, #tpu.memory_space<vmem>> -> memref<1x128xi32, #tpu.memory_space<vmem>>
      %dma_start3A_85 = tpu.memref_squeeze %dma_start3A_84 : memref<1x128xi32, #tpu.memory_space<vmem>> -> memref<128xi32, #tpu.memory_space<vmem>>
      %dma_start3A_86 = arith.constant 0 : i32
      %dma_start3A_87 = arith.constant 0 : i32
      %dma_start3A_88 = tpu.memref_slice %arg2[%dma_start3A_86, %dma_start3A_87] : memref<10240x128xf32, #tpu.memory_space<hbm>> -> memref<10240x128xf32, #tpu.memory_space<hbm>>
      tpu.enqueue_indirect_dma source(%dma_start3A_88 : memref<10240x128xf32, #tpu.memory_space<hbm>>) target(%arg9 : memref<128x128xf32, #tpu.memory_space<vmem>>) offsets(%dma_start3A_85 : memref<128xi32, #tpu.memory_space<vmem>>) semaphore(%arg12 : memref<!tpu.dma_semaphore, #tpu.memory_space<semaphore_mem>>)
      %run_scoped3A_89 = arith.constant 3 : i32
      "tpu.region"() ({
        %run_scoped3A_143 = tpu.sem_alloc : memref<!tpu.dma_semaphore, #tpu.memory_space<semaphore_mem>>
        %dma_start3A_144 = arith.constant 0 : i32
        %dma_start3A_145 = tpu.memref_slice %arg8[%run_scoped3A_89, %dma_start3A_144] : memref<8x128xi32, #tpu.memory_space<vmem>> -> memref<1x128xi32, #tpu.memory_space<vmem>>
        %dma_start3A_146 = tpu.memref_squeeze %dma_start3A_145 : memref<1x128xi32, #tpu.memory_space<vmem>> -> memref<128xi32, #tpu.memory_space<vmem>>
        %dma_start3A_147 = arith.constant 0 : i32
        %dma_start3A_148 = arith.constant 0 : i32
        %dma_start3A_149 = tpu.memref_slice %arg11[%dma_start3A_147, %dma_start3A_148] : memref<10240x128xf32, #tpu.memory_space<vmem_shared>> -> memref<10240x128xf32, #tpu.memory_space<vmem_shared>>
        tpu.enqueue_indirect_dma source(%arg10 : memref<128x128xf32, #tpu.memory_space<vmem>>) target(%dma_start3A_149 : memref<10240x128xf32, #tpu.memory_space<vmem_shared>>) offsets(%dma_start3A_146 : memref<128xi32, #tpu.memory_space<vmem>>) semaphore(%run_scoped3A_143 : memref<!tpu.dma_semaphore, #tpu.memory_space<semaphore_mem>>) {add = true}
        %dma_wait3A_150 = arith.constant 0 : i32
        %dma_wait3A_151 = tpu.memref_slice %arg8[%run_scoped3A_89, %dma_wait3A_150] : memref<8x128xi32, #tpu.memory_space<vmem>> -> memref<1x128xi32, #tpu.memory_space<vmem>>
        %dma_wait3A_152 = tpu.memref_squeeze %dma_wait3A_151 : memref<1x128xi32, #tpu.memory_space<vmem>> -> memref<128xi32, #tpu.memory_space<vmem>>
        %dma_wait3A_153 = arith.constant 0 : i32
        %dma_wait3A_154 = arith.constant 0 : i32
        %dma_wait3A_155 = tpu.memref_slice %arg11[%dma_wait3A_153, %dma_wait3A_154] : memref<10240x128xf32, #tpu.memory_space<vmem_shared>> -> memref<10240x128xf32, #tpu.memory_space<vmem_shared>>
        tpu.wait_indirect_dma semaphore(%run_scoped3A_143 : memref<!tpu.dma_semaphore, #tpu.memory_space<semaphore_mem>>) src(%arg10 : memref<128x128xf32, #tpu.memory_space<vmem>>) dst(%dma_wait3A_155 : memref<10240x128xf32, #tpu.memory_space<vmem_shared>>)
        tpu.yield
      }) : () -> ()
      %dma_wait3A_90 = arith.constant 4 : i32
      %dma_wait3A_91 = arith.constant 0 : i32
      %dma_wait3A_92 = tpu.memref_slice %arg7[%dma_wait3A_90, %dma_wait3A_91] : memref<8x128xi32, #tpu.memory_space<vmem>> -> memref<1x128xi32, #tpu.memory_space<vmem>>
      %dma_wait3A_93 = tpu.memref_squeeze %dma_wait3A_92 : memref<1x128xi32, #tpu.memory_space<vmem>> -> memref<128xi32, #tpu.memory_space<vmem>>
      %dma_wait3A_94 = arith.constant 0 : i32
      %dma_wait3A_95 = arith.constant 0 : i32
      %dma_wait3A_96 = tpu.memref_slice %arg2[%dma_wait3A_94, %dma_wait3A_95] : memref<10240x128xf32, #tpu.memory_space<hbm>> -> memref<10240x128xf32, #tpu.memory_space<hbm>>
      tpu.wait_indirect_dma semaphore(%arg12 : memref<!tpu.dma_semaphore, #tpu.memory_space<semaphore_mem>>) src(%dma_wait3A_96 : memref<10240x128xf32, #tpu.memory_space<hbm>>) dst(%arg9 : memref<128x128xf32, #tpu.memory_space<vmem>>)
      %dma_start3A_97 = arith.constant 5 : i32
      %dma_start3A_98 = arith.constant 0 : i32
      %dma_start3A_99 = tpu.memref_slice %arg7[%dma_start3A_97, %dma_start3A_98] : memref<8x128xi32, #tpu.memory_space<vmem>> -> memref<1x128xi32, #tpu.memory_space<vmem>>
      %dma_start3A_100 = tpu.memref_squeeze %dma_start3A_99 : memref<1x128xi32, #tpu.memory_space<vmem>> -> memref<128xi32, #tpu.memory_space<vmem>>
      %dma_start3A_101 = arith.constant 0 : i32
      %dma_start3A_102 = arith.constant 0 : i32
      %dma_start3A_103 = tpu.memref_slice %arg2[%dma_start3A_101, %dma_start3A_102] : memref<10240x128xf32, #tpu.memory_space<hbm>> -> memref<10240x128xf32, #tpu.memory_space<hbm>>
      tpu.enqueue_indirect_dma source(%dma_start3A_103 : memref<10240x128xf32, #tpu.memory_space<hbm>>) target(%arg10 : memref<128x128xf32, #tpu.memory_space<vmem>>) offsets(%dma_start3A_100 : memref<128xi32, #tpu.memory_space<vmem>>) semaphore(%arg12 : memref<!tpu.dma_semaphore, #tpu.memory_space<semaphore_mem>>)
      %run_scoped3A_104 = arith.constant 4 : i32
      "tpu.region"() ({
        %run_scoped3A_143 = tpu.sem_alloc : memref<!tpu.dma_semaphore, #tpu.memory_space<semaphore_mem>>
        %dma_start3A_144 = arith.constant 0 : i32
        %dma_start3A_145 = tpu.memref_slice %arg8[%run_scoped3A_104, %dma_start3A_144] : memref<8x128xi32, #tpu.memory_space<vmem>> -> memref<1x128xi32, #tpu.memory_space<vmem>>
        %dma_start3A_146 = tpu.memref_squeeze %dma_start3A_145 : memref<1x128xi32, #tpu.memory_space<vmem>> -> memref<128xi32, #tpu.memory_space<vmem>>
        %dma_start3A_147 = arith.constant 0 : i32
        %dma_start3A_148 = arith.constant 0 : i32
        %dma_start3A_149 = tpu.memref_slice %arg11[%dma_start3A_147, %dma_start3A_148] : memref<10240x128xf32, #tpu.memory_space<vmem_shared>> -> memref<10240x128xf32, #tpu.memory_space<vmem_shared>>
        tpu.enqueue_indirect_dma source(%arg9 : memref<128x128xf32, #tpu.memory_space<vmem>>) target(%dma_start3A_149 : memref<10240x128xf32, #tpu.memory_space<vmem_shared>>) offsets(%dma_start3A_146 : memref<128xi32, #tpu.memory_space<vmem>>) semaphore(%run_scoped3A_143 : memref<!tpu.dma_semaphore, #tpu.memory_space<semaphore_mem>>) {add = true}
        %dma_wait3A_150 = arith.constant 0 : i32
        %dma_wait3A_151 = tpu.memref_slice %arg8[%run_scoped3A_104, %dma_wait3A_150] : memref<8x128xi32, #tpu.memory_space<vmem>> -> memref<1x128xi32, #tpu.memory_space<vmem>>
        %dma_wait3A_152 = tpu.memref_squeeze %dma_wait3A_151 : memref<1x128xi32, #tpu.memory_space<vmem>> -> memref<128xi32, #tpu.memory_space<vmem>>
        %dma_wait3A_153 = arith.constant 0 : i32
        %dma_wait3A_154 = arith.constant 0 : i32
        %dma_wait3A_155 = tpu.memref_slice %arg11[%dma_wait3A_153, %dma_wait3A_154] : memref<10240x128xf32, #tpu.memory_space<vmem_shared>> -> memref<10240x128xf32, #tpu.memory_space<vmem_shared>>
        tpu.wait_indirect_dma semaphore(%run_scoped3A_143 : memref<!tpu.dma_semaphore, #tpu.memory_space<semaphore_mem>>) src(%arg9 : memref<128x128xf32, #tpu.memory_space<vmem>>) dst(%dma_wait3A_155 : memref<10240x128xf32, #tpu.memory_space<vmem_shared>>)
        tpu.yield
      }) : () -> ()
      %dma_wait3A_105 = arith.constant 5 : i32
      %dma_wait3A_106 = arith.constant 0 : i32
      %dma_wait3A_107 = tpu.memref_slice %arg7[%dma_wait3A_105, %dma_wait3A_106] : memref<8x128xi32, #tpu.memory_space<vmem>> -> memref<1x128xi32, #tpu.memory_space<vmem>>
      %dma_wait3A_108 = tpu.memref_squeeze %dma_wait3A_107 : memref<1x128xi32, #tpu.memory_space<vmem>> -> memref<128xi32, #tpu.memory_space<vmem>>
      %dma_wait3A_109 = arith.constant 0 : i32
      %dma_wait3A_110 = arith.constant 0 : i32
      %dma_wait3A_111 = tpu.memref_slice %arg2[%dma_wait3A_109, %dma_wait3A_110] : memref<10240x128xf32, #tpu.memory_space<hbm>> -> memref<10240x128xf32, #tpu.memory_space<hbm>>
      tpu.wait_indirect_dma semaphore(%arg12 : memref<!tpu.dma_semaphore, #tpu.memory_space<semaphore_mem>>) src(%dma_wait3A_111 : memref<10240x128xf32, #tpu.memory_space<hbm>>) dst(%arg10 : memref<128x128xf32, #tpu.memory_space<vmem>>)
      %dma_start3A_112 = arith.constant 6 : i32
      %dma_start3A_113 = arith.constant 0 : i32
      %dma_start3A_114 = tpu.memref_slice %arg7[%dma_start3A_112, %dma_start3A_113] : memref<8x128xi32, #tpu.memory_space<vmem>> -> memref<1x128xi32, #tpu.memory_space<vmem>>
      %dma_start3A_115 = tpu.memref_squeeze %dma_start3A_114 : memref<1x128xi32, #tpu.memory_space<vmem>> -> memref<128xi32, #tpu.memory_space<vmem>>
      %dma_start3A_116 = arith.constant 0 : i32
      %dma_start3A_117 = arith.constant 0 : i32
      %dma_start3A_118 = tpu.memref_slice %arg2[%dma_start3A_116, %dma_start3A_117] : memref<10240x128xf32, #tpu.memory_space<hbm>> -> memref<10240x128xf32, #tpu.memory_space<hbm>>
      tpu.enqueue_indirect_dma source(%dma_start3A_118 : memref<10240x128xf32, #tpu.memory_space<hbm>>) target(%arg9 : memref<128x128xf32, #tpu.memory_space<vmem>>) offsets(%dma_start3A_115 : memref<128xi32, #tpu.memory_space<vmem>>) semaphore(%arg12 : memref<!tpu.dma_semaphore, #tpu.memory_space<semaphore_mem>>)
      %run_scoped3A_119 = arith.constant 5 : i32
      "tpu.region"() ({
        %run_scoped3A_143 = tpu.sem_alloc : memref<!tpu.dma_semaphore, #tpu.memory_space<semaphore_mem>>
        %dma_start3A_144 = arith.constant 0 : i32
        %dma_start3A_145 = tpu.memref_slice %arg8[%run_scoped3A_119, %dma_start3A_144] : memref<8x128xi32, #tpu.memory_space<vmem>> -> memref<1x128xi32, #tpu.memory_space<vmem>>
        %dma_start3A_146 = tpu.memref_squeeze %dma_start3A_145 : memref<1x128xi32, #tpu.memory_space<vmem>> -> memref<128xi32, #tpu.memory_space<vmem>>
        %dma_start3A_147 = arith.constant 0 : i32
        %dma_start3A_148 = arith.constant 0 : i32
        %dma_start3A_149 = tpu.memref_slice %arg11[%dma_start3A_147, %dma_start3A_148] : memref<10240x128xf32, #tpu.memory_space<vmem_shared>> -> memref<10240x128xf32, #tpu.memory_space<vmem_shared>>
        tpu.enqueue_indirect_dma source(%arg10 : memref<128x128xf32, #tpu.memory_space<vmem>>) target(%dma_start3A_149 : memref<10240x128xf32, #tpu.memory_space<vmem_shared>>) offsets(%dma_start3A_146 : memref<128xi32, #tpu.memory_space<vmem>>) semaphore(%run_scoped3A_143 : memref<!tpu.dma_semaphore, #tpu.memory_space<semaphore_mem>>) {add = true}
        %dma_wait3A_150 = arith.constant 0 : i32
        %dma_wait3A_151 = tpu.memref_slice %arg8[%run_scoped3A_119, %dma_wait3A_150] : memref<8x128xi32, #tpu.memory_space<vmem>> -> memref<1x128xi32, #tpu.memory_space<vmem>>
        %dma_wait3A_152 = tpu.memref_squeeze %dma_wait3A_151 : memref<1x128xi32, #tpu.memory_space<vmem>> -> memref<128xi32, #tpu.memory_space<vmem>>
        %dma_wait3A_153 = arith.constant 0 : i32
        %dma_wait3A_154 = arith.constant 0 : i32
        %dma_wait3A_155 = tpu.memref_slice %arg11[%dma_wait3A_153, %dma_wait3A_154] : memref<10240x128xf32, #tpu.memory_space<vmem_shared>> -> memref<10240x128xf32, #tpu.memory_space<vmem_shared>>
        tpu.wait_indirect_dma semaphore(%run_scoped3A_143 : memref<!tpu.dma_semaphore, #tpu.memory_space<semaphore_mem>>) src(%arg10 : memref<128x128xf32, #tpu.memory_space<vmem>>) dst(%dma_wait3A_155 : memref<10240x128xf32, #tpu.memory_space<vmem_shared>>)
        tpu.yield
      }) : () -> ()
      %dma_wait3A_120 = arith.constant 6 : i32
      %dma_wait3A_121 = arith.constant 0 : i32
      %dma_wait3A_122 = tpu.memref_slice %arg7[%dma_wait3A_120, %dma_wait3A_121] : memref<8x128xi32, #tpu.memory_space<vmem>> -> memref<1x128xi32, #tpu.memory_space<vmem>>
      %dma_wait3A_123 = tpu.memref_squeeze %dma_wait3A_122 : memref<1x128xi32, #tpu.memory_space<vmem>> -> memref<128xi32, #tpu.memory_space<vmem>>
      %dma_wait3A_124 = arith.constant 0 : i32
      %dma_wait3A_125 = arith.constant 0 : i32
      %dma_wait3A_126 = tpu.memref_slice %arg2[%dma_wait3A_124, %dma_wait3A_125] : memref<10240x128xf32, #tpu.memory_space<hbm>> -> memref<10240x128xf32, #tpu.memory_space<hbm>>
      tpu.wait_indirect_dma semaphore(%arg12 : memref<!tpu.dma_semaphore, #tpu.memory_space<semaphore_mem>>) src(%dma_wait3A_126 : memref<10240x128xf32, #tpu.memory_space<hbm>>) dst(%arg9 : memref<128x128xf32, #tpu.memory_space<vmem>>)
      %dma_start3A_127 = arith.constant 7 : i32
      %dma_start3A_128 = arith.constant 0 : i32
      %dma_start3A_129 = tpu.memref_slice %arg7[%dma_start3A_127, %dma_start3A_128] : memref<8x128xi32, #tpu.memory_space<vmem>> -> memref<1x128xi32, #tpu.memory_space<vmem>>
      %dma_start3A_130 = tpu.memref_squeeze %dma_start3A_129 : memref<1x128xi32, #tpu.memory_space<vmem>> -> memref<128xi32, #tpu.memory_space<vmem>>
      %dma_start3A_131 = arith.constant 0 : i32
      %dma_start3A_132 = arith.constant 0 : i32
      %dma_start3A_133 = tpu.memref_slice %arg2[%dma_start3A_131, %dma_start3A_132] : memref<10240x128xf32, #tpu.memory_space<hbm>> -> memref<10240x128xf32, #tpu.memory_space<hbm>>
      tpu.enqueue_indirect_dma source(%dma_start3A_133 : memref<10240x128xf32, #tpu.memory_space<hbm>>) target(%arg10 : memref<128x128xf32, #tpu.memory_space<vmem>>) offsets(%dma_start3A_130 : memref<128xi32, #tpu.memory_space<vmem>>) semaphore(%arg12 : memref<!tpu.dma_semaphore, #tpu.memory_space<semaphore_mem>>)
      %run_scoped3A_134 = arith.constant 6 : i32
      "tpu.region"() ({
        %run_scoped3A_143 = tpu.sem_alloc : memref<!tpu.dma_semaphore, #tpu.memory_space<semaphore_mem>>
        %dma_start3A_144 = arith.constant 0 : i32
        %dma_start3A_145 = tpu.memref_slice %arg8[%run_scoped3A_134, %dma_start3A_144] : memref<8x128xi32, #tpu.memory_space<vmem>> -> memref<1x128xi32, #tpu.memory_space<vmem>>
        %dma_start3A_146 = tpu.memref_squeeze %dma_start3A_145 : memref<1x128xi32, #tpu.memory_space<vmem>> -> memref<128xi32, #tpu.memory_space<vmem>>
        %dma_start3A_147 = arith.constant 0 : i32
        %dma_start3A_148 = arith.constant 0 : i32
        %dma_start3A_149 = tpu.memref_slice %arg11[%dma_start3A_147, %dma_start3A_148] : memref<10240x128xf32, #tpu.memory_space<vmem_shared>> -> memref<10240x128xf32, #tpu.memory_space<vmem_shared>>
        tpu.enqueue_indirect_dma source(%arg9 : memref<128x128xf32, #tpu.memory_space<vmem>>) target(%dma_start3A_149 : memref<10240x128xf32, #tpu.memory_space<vmem_shared>>) offsets(%dma_start3A_146 : memref<128xi32, #tpu.memory_space<vmem>>) semaphore(%run_scoped3A_143 : memref<!tpu.dma_semaphore, #tpu.memory_space<semaphore_mem>>) {add = true}
        %dma_wait3A_150 = arith.constant 0 : i32
        %dma_wait3A_151 = tpu.memref_slice %arg8[%run_scoped3A_134, %dma_wait3A_150] : memref<8x128xi32, #tpu.memory_space<vmem>> -> memref<1x128xi32, #tpu.memory_space<vmem>>
        %dma_wait3A_152 = tpu.memref_squeeze %dma_wait3A_151 : memref<1x128xi32, #tpu.memory_space<vmem>> -> memref<128xi32, #tpu.memory_space<vmem>>
        %dma_wait3A_153 = arith.constant 0 : i32
        %dma_wait3A_154 = arith.constant 0 : i32
        %dma_wait3A_155 = tpu.memref_slice %arg11[%dma_wait3A_153, %dma_wait3A_154] : memref<10240x128xf32, #tpu.memory_space<vmem_shared>> -> memref<10240x128xf32, #tpu.memory_space<vmem_shared>>
        tpu.wait_indirect_dma semaphore(%run_scoped3A_143 : memref<!tpu.dma_semaphore, #tpu.memory_space<semaphore_mem>>) src(%arg9 : memref<128x128xf32, #tpu.memory_space<vmem>>) dst(%dma_wait3A_155 : memref<10240x128xf32, #tpu.memory_space<vmem_shared>>)
        tpu.yield
      }) : () -> ()
      %dma_wait3A_135 = arith.constant 7 : i32
      %dma_wait3A_136 = arith.constant 0 : i32
      %dma_wait3A_137 = tpu.memref_slice %arg7[%dma_wait3A_135, %dma_wait3A_136] : memref<8x128xi32, #tpu.memory_space<vmem>> -> memref<1x128xi32, #tpu.memory_space<vmem>>
      %dma_wait3A_138 = tpu.memref_squeeze %dma_wait3A_137 : memref<1x128xi32, #tpu.memory_space<vmem>> -> memref<128xi32, #tpu.memory_space<vmem>>
      %dma_wait3A_139 = arith.constant 0 : i32
      %dma_wait3A_140 = arith.constant 0 : i32
      %dma_wait3A_141 = tpu.memref_slice %arg2[%dma_wait3A_139, %dma_wait3A_140] : memref<10240x128xf32, #tpu.memory_space<hbm>> -> memref<10240x128xf32, #tpu.memory_space<hbm>>
      tpu.wait_indirect_dma semaphore(%arg12 : memref<!tpu.dma_semaphore, #tpu.memory_space<semaphore_mem>>) src(%dma_wait3A_141 : memref<10240x128xf32, #tpu.memory_space<hbm>>) dst(%arg10 : memref<128x128xf32, #tpu.memory_space<vmem>>)
      %run_scoped3A_142 = arith.constant 7 : i32
      "tpu.region"() ({
        %run_scoped3A_143 = tpu.sem_alloc : memref<!tpu.dma_semaphore, #tpu.memory_space<semaphore_mem>>
        %dma_start3A_144 = arith.constant 0 : i32
        %dma_start3A_145 = tpu.memref_slice %arg8[%run_scoped3A_142, %dma_start3A_144] : memref<8x128xi32, #tpu.memory_space<vmem>> -> memref<1x128xi32, #tpu.memory_space<vmem>>
        %dma_start3A_146 = tpu.memref_squeeze %dma_start3A_145 : memref<1x128xi32, #tpu.memory_space<vmem>> -> memref<128xi32, #tpu.memory_space<vmem>>
        %dma_start3A_147 = arith.constant 0 : i32
        %dma_start3A_148 = arith.constant 0 : i32
        %dma_start3A_149 = tpu.memref_slice %arg11[%dma_start3A_147, %dma_start3A_148] : memref<10240x128xf32, #tpu.memory_space<vmem_shared>> -> memref<10240x128xf32, #tpu.memory_space<vmem_shared>>
        tpu.enqueue_indirect_dma source(%arg10 : memref<128x128xf32, #tpu.memory_space<vmem>>) target(%dma_start3A_149 : memref<10240x128xf32, #tpu.memory_space<vmem_shared>>) offsets(%dma_start3A_146 : memref<128xi32, #tpu.memory_space<vmem>>) semaphore(%run_scoped3A_143 : memref<!tpu.dma_semaphore, #tpu.memory_space<semaphore_mem>>) {add = true}
        %dma_wait3A_150 = arith.constant 0 : i32
        %dma_wait3A_151 = tpu.memref_slice %arg8[%run_scoped3A_142, %dma_wait3A_150] : memref<8x128xi32, #tpu.memory_space<vmem>> -> memref<1x128xi32, #tpu.memory_space<vmem>>
        %dma_wait3A_152 = tpu.memref_squeeze %dma_wait3A_151 : memref<1x128xi32, #tpu.memory_space<vmem>> -> memref<128xi32, #tpu.memory_space<vmem>>
        %dma_wait3A_153 = arith.constant 0 : i32
        %dma_wait3A_154 = arith.constant 0 : i32
        %dma_wait3A_155 = tpu.memref_slice %arg11[%dma_wait3A_153, %dma_wait3A_154] : memref<10240x128xf32, #tpu.memory_space<vmem_shared>> -> memref<10240x128xf32, #tpu.memory_space<vmem_shared>>
        tpu.wait_indirect_dma semaphore(%run_scoped3A_143 : memref<!tpu.dma_semaphore, #tpu.memory_space<semaphore_mem>>) src(%arg10 : memref<128x128xf32, #tpu.memory_space<vmem>>) dst(%dma_wait3A_155 : memref<10240x128xf32, #tpu.memory_space<vmem_shared>>)
        tpu.yield
      }) : () -> ()
    }
    %scan3A_13 = arith.constant 10 : i32
    %barrier3A_14 = arith.constant 0 : index
    tpu.barrier barrier_id(%barrier3A_14)
    %scan3A_15 = arith.constant 0 : i32
    %scan3A_16 = arith.constant 0 : i32
    %scan3A_17 = arith.constant 5 : i32
    %scan3A_18 = arith.addi %scan3A_16, %scan3A_17 : i32
    %scan3A_19 = arith.constant 1 : i32
    scf.for %scan3A_21 = %scan3A_16 to %scan3A_18 step %scan3A_19  : i32 {
      %mul3A_22 = arith.constant 128 : i32
      %mul3A_23 = arith.muli %scan3A_21, %mul3A_22 : i32
      %add3A_24 = arith.addi %mul3A_2, %mul3A_23 : i32
      "tpu.region"() ({
        %run_scoped3A = tpu.sem_alloc : memref<!tpu.dma_semaphore, #tpu.memory_space<semaphore_mem>>
        %dma_start3A = arith.constant 0 : i32
        %dma_start3A_25 = tpu.memref_slice %arg11[%add3A_24, %dma_start3A] : memref<10240x128xf32, #tpu.memory_space<vmem_shared>> -> memref<128x128xf32, #tpu.memory_space<vmem_shared>>
        %dma_start3A_26 = arith.constant 0 : i32
        %dma_start3A_27 = tpu.memref_slice %arg11[%add3A_24, %dma_start3A_26] : memref<10240x128xf32, #tpu.memory_space<vmem_shared>> -> memref<128x128xf32, #tpu.memory_space<vmem_shared>>
        tpu.enqueue_dma source(%dma_start3A_27 : memref<128x128xf32, #tpu.memory_space<vmem_shared>>) target(%arg9 : memref<128x128xf32, #tpu.memory_space<vmem>>) target_semaphore(%run_scoped3A : memref<!tpu.dma_semaphore, #tpu.memory_space<semaphore_mem>>)
        %dma_wait3A = arith.constant 0 : i32
        %dma_wait3A_28 = tpu.memref_slice %arg11[%add3A_24, %dma_wait3A] : memref<10240x128xf32, #tpu.memory_space<vmem_shared>> -> memref<128x128xf32, #tpu.memory_space<vmem_shared>>
        %dma_wait3A_29 = arith.constant 0 : i32
        %dma_wait3A_30 = tpu.memref_slice %arg11[%add3A_24, %dma_wait3A_29] : memref<10240x128xf32, #tpu.memory_space<vmem_shared>> -> memref<128x128xf32, #tpu.memory_space<vmem_shared>>
        tpu.wait_dma2 semaphore(%run_scoped3A : memref<!tpu.dma_semaphore, #tpu.memory_space<semaphore_mem>>) src(%dma_wait3A_30 : memref<128x128xf32, #tpu.memory_space<vmem_shared>>) dst(%arg9 : memref<128x128xf32, #tpu.memory_space<vmem>>)
        tpu.yield
      }) : () -> ()
      "tpu.region"() ({
        %run_scoped3A = tpu.sem_alloc : memref<!tpu.dma_semaphore, #tpu.memory_space<semaphore_mem>>
        %dma_start3A = arith.constant 0 : i32
        %dma_start3A_25 = tpu.memref_slice %arg6[%arg0, %add3A_24, %dma_start3A] : memref<2x10240x128xf32, #tpu.memory_space<hbm>> -> memref<1x128x128xf32, #tpu.memory_space<hbm>>
        %dma_start3A_26 = tpu.memref_squeeze %dma_start3A_25 : memref<1x128x128xf32, #tpu.memory_space<hbm>> -> memref<128x128xf32, #tpu.memory_space<hbm>>
        %dma_start3A_27 = arith.constant 0 : i32
        %dma_start3A_28 = tpu.memref_slice %arg6[%arg0, %add3A_24, %dma_start3A_27] : memref<2x10240x128xf32, #tpu.memory_space<hbm>> -> memref<1x128x128xf32, #tpu.memory_space<hbm>>
        %dma_start3A_29 = tpu.memref_squeeze %dma_start3A_28 : memref<1x128x128xf32, #tpu.memory_space<hbm>> -> memref<128x128xf32, #tpu.memory_space<hbm>>
        tpu.enqueue_dma source(%arg9 : memref<128x128xf32, #tpu.memory_space<vmem>>) target(%dma_start3A_29 : memref<128x128xf32, #tpu.memory_space<hbm>>) target_semaphore(%run_scoped3A : memref<!tpu.dma_semaphore, #tpu.memory_space<semaphore_mem>>)
        %dma_wait3A = arith.constant 0 : i32
        %dma_wait3A_30 = tpu.memref_slice %arg6[%arg0, %add3A_24, %dma_wait3A] : memref<2x10240x128xf32, #tpu.memory_space<hbm>> -> memref<1x128x128xf32, #tpu.memory_space<hbm>>
        %dma_wait3A_31 = tpu.memref_squeeze %dma_wait3A_30 : memref<1x128x128xf32, #tpu.memory_space<hbm>> -> memref<128x128xf32, #tpu.memory_space<hbm>>
        %dma_wait3A_32 = arith.constant 0 : i32
        %dma_wait3A_33 = tpu.memref_slice %arg6[%arg0, %add3A_24, %dma_wait3A_32] : memref<2x10240x128xf32, #tpu.memory_space<hbm>> -> memref<1x128x128xf32, #tpu.memory_space<hbm>>
        %dma_wait3A_34 = tpu.memref_squeeze %dma_wait3A_33 : memref<1x128x128xf32, #tpu.memory_space<hbm>> -> memref<128x128xf32, #tpu.memory_space<hbm>>
        tpu.wait_dma2 semaphore(%run_scoped3A : memref<!tpu.dma_semaphore, #tpu.memory_space<semaphore_mem>>) src(%arg9 : memref<128x128xf32, #tpu.memory_space<vmem>>) dst(%dma_wait3A_34 : memref<128x128xf32, #tpu.memory_space<hbm>>)
        tpu.yield
      }) : () -> ()
    }
    %scan3A_20 = arith.constant 5 : i32
    return
  }
}

module attributes {stable_mosaic.version = 14 : i64} {
  func.func @body(%arg0: i32, %arg1: memref<2x1024x128xf32, #tpu.memory_space<vmem>>, %arg2: memref<128x256xf32, #tpu.memory_space<vmem>>, %arg3: memref<1x256xf32, #tpu.memory_space<vmem>>, %arg4: memref<1024x256xf32, #tpu.memory_space<vmem>>, %arg5: memref<2x256xf32, #tpu.memory_space<vmem>>, %arg6: memref<2x256xf32, #tpu.memory_space<vmem>>) attributes {dimension_semantics = [#tpu.dimension_semantics<arbitrary>], iteration_bounds = array<i64: 10>, scalar_prefetch = 0 : i64, scratch_operands = 1 : i64, tpu.core_type = #tpu.core_type<tc>, window_params = [{transform_indices = @transform_0, window_bounds = array<i64: 2, 1024, 128>}, {pipeline_mode = #tpu.pipeline_mode<synchronous>, transform_indices = @transform_1, window_bounds = array<i64: 128, 256>}, {pipeline_mode = #tpu.pipeline_mode<synchronous>, transform_indices = @transform_2, window_bounds = array<i64: 1, 256>}, {transform_indices = @transform_3, window_bounds = array<i64: 1024, 256>}, {pipeline_mode = #tpu.pipeline_mode<synchronous>, transform_indices = @transform_4, window_bounds = array<i64: 2, 256>}]} {
    %get3A = arith.constant 0 : index
    %get3A_0 = arith.constant 0 : index
    %get3A_1 = arith.constant 0 : index
    %get3A_2 = vector.load %arg1[%get3A, %get3A_0, %get3A_1] : memref<2x1024x128xf32, #tpu.memory_space<vmem>>, vector<1x1024x128xf32>
    %get3A_3 = vector.shape_cast %get3A_2 : vector<1x1024x128xf32> to vector<1024x128xf32>
    %get3A_4 = arith.constant 1 : index
    %get3A_5 = arith.constant 0 : index
    %get3A_6 = arith.constant 0 : index
    %get3A_7 = vector.load %arg1[%get3A_4, %get3A_5, %get3A_6] : memref<2x1024x128xf32, #tpu.memory_space<vmem>>, vector<1x1024x128xf32>
    %get3A_8 = vector.shape_cast %get3A_7 : vector<1x1024x128xf32> to vector<1024x128xf32>
    %add3A = arith.addf %get3A_3, %get3A_8 : vector<1024x128xf32>
    %get3A_9 = arith.constant 0 : index
    %get3A_10 = arith.constant 0 : index
    %get3A_11 = vector.load %arg2[%get3A_9, %get3A_10] : memref<128x256xf32, #tpu.memory_space<vmem>>, vector<128x256xf32>
    %dot_general3A = arith.constant dense<0.000000e+00> : vector<1024x256xf32>
    %dot_general3A_12 = tpu.matmul %add3A, %get3A_11, %dot_general3A {dimension_numbers = #tpu.dot_dimension_numbers<[1], [0], [0], [1], [0, 0, 1, 1], [], []>, transpose_lhs_hint = false} : vector<1024x128xf32>, vector<128x256xf32>, vector<1024x256xf32> -> vector<1024x256xf32>
    %get3A_13 = arith.constant 0 : index
    %get3A_14 = arith.constant 0 : index
    %get3A_15 = vector.load %arg3[%get3A_13, %get3A_14] : memref<1x256xf32, #tpu.memory_space<vmem>>, vector<1x256xf32>
    %add3A_16 = vector.broadcast %get3A_15 : vector<1x256xf32> to vector<1024x256xf32>
    %add3A_17 = arith.addf %dot_general3A_12, %add3A_16 : vector<1024x256xf32>
    %swap3A = arith.constant 0 : index
    %swap3A_18 = arith.constant 0 : index
    %swap3A_19 = vector.load %arg4[%swap3A, %swap3A_18] : memref<1024x256xf32, #tpu.memory_space<vmem>>, vector<1024x256xf32>
    tpu.vector_store %arg4[%swap3A, %swap3A_18], %add3A_17 {strides = array<i32>} : memref<1024x256xf32, #tpu.memory_space<vmem>>, vector<1024x256xf32>,
    %iota3A = tpu.iota {dimensions = array<i32: 0>} : vector<1024x1xi32>
    %mul3A = arith.constant 1024 : i32
    %mul3A_20 = arith.muli %arg0, %mul3A : i32
    %add3A_21 = vector.broadcast %mul3A_20 : i32 to vector<1024x1xi32>
    %add3A_22 = arith.addi %iota3A, %add3A_21 : vector<1024x1xi32>
    %lt3A = arith.constant 10000 : i32
    %lt3A_23 = vector.broadcast %lt3A : i32 to vector<1024x1xi32>
    %lt3A_24 = arith.cmpi slt, %add3A_22, %lt3A_23 : vector<1024x1xi32>
    %jit3A = arith.constant 0.000000e+00 : f32
    %broadcast_in_dim3A = vector.shape_cast %lt3A_24 : vector<1024x1xi1> to vector<1024x1xi1>
    %broadcast_in_dim3A_25 = vector.broadcast %broadcast_in_dim3A : vector<1024x1xi1> to vector<1024x256xi1>
    %broadcast_in_dim3A_26 = vector.broadcast %jit3A : f32 to vector<1024x256xf32>
    %select_n3A = arith.select %broadcast_in_dim3A_25, %add3A_17, %broadcast_in_dim3A_26 : vector<1024x256xi1>, vector<1024x256xf32>
    %reduce_sum3A = arith.constant dense<0.000000e+00> : vector<256xf32>
    %reduce_sum3A_27 = vector.multi_reduction <add>, %select_n3A, %reduce_sum3A [0] : vector<1024x256xf32> to vector<256xf32>
    %broadcast_in_dim3A_28 = vector.shape_cast %reduce_sum3A_27 : vector<256xf32> to vector<1x256xf32>
    %mul3A_29 = arith.mulf %select_n3A, %select_n3A : vector<1024x256xf32>
    %reduce_sum3A_30 = arith.constant dense<0.000000e+00> : vector<256xf32>
    %reduce_sum3A_31 = vector.multi_reduction <add>, %mul3A_29, %reduce_sum3A_30 [0] : vector<1024x256xf32> to vector<256xf32>
    %broadcast_in_dim3A_32 = vector.shape_cast %reduce_sum3A_31 : vector<256xf32> to vector<1x256xf32>
    %concatenate3A = tpu.concatenate %broadcast_in_dim3A_28, %broadcast_in_dim3A_32 in 0 : vector<1x256xf32>, vector<1x256xf32> -> vector<2x256xf32>
    %eq3A = arith.constant 0 : i32
    %eq3A_33 = arith.cmpi eq, %arg0, %eq3A : i32
    %convert_element_type3A = arith.extui %eq3A_33 : i1 to i32
    %cond3A = arith.constant 0 : i32
    %cond3A_34 = arith.cmpi ne, %convert_element_type3A, %cond3A : i32
    scf.if %cond3A_34 {
      %swap3A_44 = arith.constant 0 : index
      %swap3A_45 = arith.constant 0 : index
      %swap3A_46 = vector.load %arg6[%swap3A_44, %swap3A_45] : memref<2x256xf32, #tpu.memory_space<vmem>>, vector<2x256xf32>
      tpu.vector_store %arg6[%swap3A_44, %swap3A_45], %concatenate3A {strides = array<i32>} : memref<2x256xf32, #tpu.memory_space<vmem>>, vector<2x256xf32>,
    } else {
    }
    %gt3A = arith.constant 0 : i32
    %gt3A_35 = arith.cmpi sgt, %arg0, %gt3A : i32
    %convert_element_type3A_36 = arith.extui %gt3A_35 : i1 to i32
    %cond3A_37 = arith.constant 0 : i32
    %cond3A_38 = arith.cmpi ne, %convert_element_type3A_36, %cond3A_37 : i32
    scf.if %cond3A_38 {
      %get3A_44 = arith.constant 0 : index
      %get3A_45 = arith.constant 0 : index
      %get3A_46 = vector.load %arg6[%get3A_44, %get3A_45] : memref<2x256xf32, #tpu.memory_space<vmem>>, vector<2x256xf32>
      %add3A_47 = arith.addf %get3A_46, %concatenate3A : vector<2x256xf32>
      %swap3A_48 = arith.constant 0 : index
      %swap3A_49 = arith.constant 0 : index
      %swap3A_50 = vector.load %arg6[%swap3A_48, %swap3A_49] : memref<2x256xf32, #tpu.memory_space<vmem>>, vector<2x256xf32>
      tpu.vector_store %arg6[%swap3A_48, %swap3A_49], %add3A_47 {strides = array<i32>} : memref<2x256xf32, #tpu.memory_space<vmem>>, vector<2x256xf32>,
    } else {
    }
    %eq3A_39 = arith.constant 9 : i32
    %eq3A_40 = arith.cmpi eq, %arg0, %eq3A_39 : i32
    %convert_element_type3A_41 = arith.extui %eq3A_40 : i1 to i32
    %cond3A_42 = arith.constant 0 : i32
    %cond3A_43 = arith.cmpi ne, %convert_element_type3A_41, %cond3A_42 : i32
    scf.if %cond3A_43 {
      %get3A_44 = arith.constant 0 : index
      %get3A_45 = arith.constant 0 : index
      %get3A_46 = vector.load %arg6[%get3A_44, %get3A_45] : memref<2x256xf32, #tpu.memory_space<vmem>>, vector<2x256xf32>
      %swap3A_47 = arith.constant 0 : index
      %swap3A_48 = arith.constant 0 : index
      %swap3A_49 = vector.load %arg5[%swap3A_47, %swap3A_48] : memref<2x256xf32, #tpu.memory_space<vmem>>, vector<2x256xf32>
      tpu.vector_store %arg5[%swap3A_47, %swap3A_48], %get3A_46 {strides = array<i32>} : memref<2x256xf32, #tpu.memory_space<vmem>>, vector<2x256xf32>,
    } else {
    }
    return
  }
  func.func @transform_0(%arg0: i32) -> (i32, i32, i32) {
    %c0_i32 = arith.constant 0 : i32
    %c0_i32_0 = arith.constant 0 : i32
    %c0_i32_1 = arith.constant 0 : i32
    return %c0_i32, %arg0, %c0_i32_0 : i32, i32, i32
  }
  func.func @transform_1(%arg0: i32) -> (i32, i32) {
    %c0_i32 = arith.constant 0 : i32
    %c0_i32_0 = arith.constant 0 : i32
    %c0_i32_1 = arith.constant 0 : i32
    return %c0_i32, %c0_i32_0 : i32, i32
  }
  func.func @transform_2(%arg0: i32) -> (i32, i32) {
    %c0_i32 = arith.constant 0 : i32
    %c0_i32_0 = arith.constant 0 : i32
    %c0_i32_1 = arith.constant 0 : i32
    return %c0_i32, %c0_i32_0 : i32, i32
  }
  func.func @transform_3(%arg0: i32) -> (i32, i32) {
    %c0_i32 = arith.constant 0 : i32
    %c0_i32_0 = arith.constant 0 : i32
    return %arg0, %c0_i32 : i32, i32
  }
  func.func @transform_4(%arg0: i32) -> (i32, i32) {
    %c0_i32 = arith.constant 0 : i32
    %c0_i32_0 = arith.constant 0 : i32
    %c0_i32_1 = arith.constant 0 : i32
    return %c0_i32, %c0_i32_0 : i32, i32
  }
}

module attributes {stable_mosaic.version = 14 : i64} {
  func.func @body(%arg0: i32, %arg1: memref<1024x256xf32, #tpu.memory_space<vmem>>, %arg2: memref<2x256xf32, #tpu.memory_space<vmem>>, %arg3: memref<1x256xf32, #tpu.memory_space<vmem>>, %arg4: memref<1x256xf32, #tpu.memory_space<vmem>>, %arg5: memref<256x128xf32, #tpu.memory_space<vmem>>, %arg6: memref<1x128xf32, #tpu.memory_space<vmem>>, %arg7: memref<1024x128xf32, #tpu.memory_space<vmem>>) attributes {dimension_semantics = [#tpu.dimension_semantics<arbitrary>], iteration_bounds = array<i64: 10>, scalar_prefetch = 0 : i64, scratch_operands = 0 : i64, tpu.core_type = #tpu.core_type<tc>, window_params = [{transform_indices = @transform_0, window_bounds = array<i64: 1024, 256>}, {pipeline_mode = #tpu.pipeline_mode<synchronous>, transform_indices = @transform_1, window_bounds = array<i64: 2, 256>}, {pipeline_mode = #tpu.pipeline_mode<synchronous>, transform_indices = @transform_2, window_bounds = array<i64: 1, 256>}, {pipeline_mode = #tpu.pipeline_mode<synchronous>, transform_indices = @transform_3, window_bounds = array<i64: 1, 256>}, {pipeline_mode = #tpu.pipeline_mode<synchronous>, transform_indices = @transform_4, window_bounds = array<i64: 256, 128>}, {pipeline_mode = #tpu.pipeline_mode<synchronous>, transform_indices = @transform_5, window_bounds = array<i64: 1, 128>}, {transform_indices = @transform_6, window_bounds = array<i64: 1024, 128>}]} {
    %get3A = arith.constant 0 : index
    %get3A_0 = arith.constant 0 : index
    %get3A_1 = vector.load %arg2[%get3A, %get3A_0] : memref<2x256xf32, #tpu.memory_space<vmem>>, vector<1x256xf32>
    %mul3A = arith.constant 9.99999974E-5 : f32
    %mul3A_2 = vector.broadcast %mul3A : f32 to vector<1x256xf32>
    %mul3A_3 = arith.mulf %get3A_1, %mul3A_2 : vector<1x256xf32>
    %get3A_4 = arith.constant 1 : index
    %get3A_5 = arith.constant 0 : index
    %get3A_6 = vector.load %arg2[%get3A_4, %get3A_5] : memref<2x256xf32, #tpu.memory_space<vmem>>, vector<1x256xf32>
    %mul3A_7 = arith.constant 9.99999974E-5 : f32
    %mul3A_8 = vector.broadcast %mul3A_7 : f32 to vector<1x256xf32>
    %mul3A_9 = arith.mulf %get3A_6, %mul3A_8 : vector<1x256xf32>
    %mul3A_10 = arith.mulf %mul3A_3, %mul3A_3 : vector<1x256xf32>
    %sub3A = arith.subf %mul3A_9, %mul3A_10 : vector<1x256xf32>
    %add3A = arith.constant 9.99999974E-6 : f32
    %add3A_11 = vector.broadcast %add3A : f32 to vector<1x256xf32>
    %add3A_12 = arith.addf %sub3A, %add3A_11 : vector<1x256xf32>
    %rsqrt3A = math.rsqrt %add3A_12 : vector<1x256xf32>
    %get3A_13 = arith.constant 0 : index
    %get3A_14 = arith.constant 0 : index
    %get3A_15 = vector.load %arg3[%get3A_13, %get3A_14] : memref<1x256xf32, #tpu.memory_space<vmem>>, vector<1x256xf32>
    %mul3A_16 = arith.mulf %rsqrt3A, %get3A_15 : vector<1x256xf32>
    %get3A_17 = arith.constant 0 : index
    %get3A_18 = arith.constant 0 : index
    %get3A_19 = vector.load %arg1[%get3A_17, %get3A_18] : memref<1024x256xf32, #tpu.memory_space<vmem>>, vector<1024x256xf32>
    %sub3A_20 = vector.broadcast %mul3A_3 : vector<1x256xf32> to vector<1024x256xf32>
    %sub3A_21 = arith.subf %get3A_19, %sub3A_20 : vector<1024x256xf32>
    %mul3A_22 = vector.broadcast %mul3A_16 : vector<1x256xf32> to vector<1024x256xf32>
    %mul3A_23 = arith.mulf %sub3A_21, %mul3A_22 : vector<1024x256xf32>
    %get3A_24 = arith.constant 0 : index
    %get3A_25 = arith.constant 0 : index
    %get3A_26 = vector.load %arg4[%get3A_24, %get3A_25] : memref<1x256xf32, #tpu.memory_space<vmem>>, vector<1x256xf32>
    %add3A_27 = vector.broadcast %get3A_26 : vector<1x256xf32> to vector<1024x256xf32>
    %add3A_28 = arith.addf %mul3A_23, %add3A_27 : vector<1024x256xf32>
    %max3A = arith.constant 0.000000e+00 : f32
    %max3A_29 = vector.broadcast %max3A : f32 to vector<1024x256xf32>
    %max3A_30 = arith.maximumf %add3A_28, %max3A_29 : vector<1024x256xf32>
    %get3A_31 = arith.constant 0 : index
    %get3A_32 = arith.constant 0 : index
    %get3A_33 = vector.load %arg5[%get3A_31, %get3A_32] : memref<256x128xf32, #tpu.memory_space<vmem>>, vector<256x128xf32>
    %dot_general3A = arith.constant dense<0.000000e+00> : vector<1024x128xf32>
    %dot_general3A_34 = tpu.matmul %max3A_30, %get3A_33, %dot_general3A {dimension_numbers = #tpu.dot_dimension_numbers<[1], [0], [0], [1], [0, 0, 1, 1], [], []>, transpose_lhs_hint = false} : vector<1024x256xf32>, vector<256x128xf32>, vector<1024x128xf32> -> vector<1024x128xf32>
    %get3A_35 = arith.constant 0 : index
    %get3A_36 = arith.constant 0 : index
    %get3A_37 = vector.load %arg6[%get3A_35, %get3A_36] : memref<1x128xf32, #tpu.memory_space<vmem>>, vector<1x128xf32>
    %add3A_38 = vector.broadcast %get3A_37 : vector<1x128xf32> to vector<1024x128xf32>
    %add3A_39 = arith.addf %dot_general3A_34, %add3A_38 : vector<1024x128xf32>
    %swap3A = arith.constant 0 : index
    %swap3A_40 = arith.constant 0 : index
    %swap3A_41 = vector.load %arg7[%swap3A, %swap3A_40] : memref<1024x128xf32, #tpu.memory_space<vmem>>, vector<1024x128xf32>
    tpu.vector_store %arg7[%swap3A, %swap3A_40], %add3A_39 {strides = array<i32>} : memref<1024x128xf32, #tpu.memory_space<vmem>>, vector<1024x128xf32>,
    return
  }
  func.func @transform_0(%arg0: i32) -> (i32, i32) {
    %c0_i32 = arith.constant 0 : i32
    %c0_i32_0 = arith.constant 0 : i32
    return %arg0, %c0_i32 : i32, i32
  }
  func.func @transform_1(%arg0: i32) -> (i32, i32) {
    %c0_i32 = arith.constant 0 : i32
    %c0_i32_0 = arith.constant 0 : i32
    %c0_i32_1 = arith.constant 0 : i32
    return %c0_i32, %c0_i32_0 : i32, i32
  }
  func.func @transform_2(%arg0: i32) -> (i32, i32) {
    %c0_i32 = arith.constant 0 : i32
    %c0_i32_0 = arith.constant 0 : i32
    %c0_i32_1 = arith.constant 0 : i32
    return %c0_i32, %c0_i32_0 : i32, i32
  }
  func.func @transform_3(%arg0: i32) -> (i32, i32) {
    %c0_i32 = arith.constant 0 : i32
    %c0_i32_0 = arith.constant 0 : i32
    %c0_i32_1 = arith.constant 0 : i32
    return %c0_i32, %c0_i32_0 : i32, i32
  }
  func.func @transform_4(%arg0: i32) -> (i32, i32) {
    %c0_i32 = arith.constant 0 : i32
    %c0_i32_0 = arith.constant 0 : i32
    %c0_i32_1 = arith.constant 0 : i32
    return %c0_i32, %c0_i32_0 : i32, i32
  }
  func.func @transform_5(%arg0: i32) -> (i32, i32) {
    %c0_i32 = arith.constant 0 : i32
    %c0_i32_0 = arith.constant 0 : i32
    %c0_i32_1 = arith.constant 0 : i32
    return %c0_i32, %c0_i32_0 : i32, i32
  }
  func.func @transform_6(%arg0: i32) -> (i32, i32) {
    %c0_i32 = arith.constant 0 : i32
    %c0_i32_0 = arith.constant 0 : i32
    return %arg0, %c0_i32 : i32, i32
  }
}

</mosaic_0001>

<sc_bundles>
// kernel: kernel.5.cloned.1.call-start
scs
__scs_entry_jumppad:
0x0: {  	(pc) =	sbr.rel $0x88, $3  }
0x1: {  	(tag) =	ssettag $0x0;
	lr =	simm.s32 $0x1  }
0x2: {  	[smem:$0x3F99] =	sst lr;
	_ =	strace $0xD0000000  }
0x3: {  	_ = 	snop  }
0x4: {  	_ = 	snop  }
0x5: {  	_ = 	snop  }
0x6: {  	_ = 	snop  }
0x7: {  	_ = 	snop  }
__scs_overlays_trampoline_lowered:
0x8: {  	[smem:$0x3FA8] =	sst s0  }
0x9: {  	[smem:$0x3FA9] =	sst s1  }
0xa: {  	[smem:$0x3FAA] =	sst s2  }
0xb: {  	[smem:$0x3FAB] =	sst s3  }
0xc: {  	[smem:$0x3FAC] =	sst s4  }
0xd: {  	[smem:$0x3FAD] =	sst s5  }
0xe: {  	[smem:$0x3FAE] =	sst s6  }
0xf: {  	[smem:$0x3FAF] =	sst s7  }
0x10: {  	[smem:$0x3FB0] =	sst s8  }
0x11: {  	[smem:$0x3FB1] =	sst s9;
	s0 =	simm.s32 @!p0 $0x0  }
0x12: {  	s1 =	sld [smem:$0x3F97];
	s0 =	simm.s32 @p0 $0x1  }
0x13: {  	[smem:$0x3FB2] =	sst s0;
	s0 =	simm.s32 @!p1 $0x0  }
0x14: {  	s2 =	sld [smem:$0x3F96];
	s0 =	simm.s32 @p1 $0x1  }
0x15: {  	[smem:$0x3FB3] =	sst s0;
	s0 =	simm.s32 @!p2 $0x0  }
0x16: {  	s3 =	sld [smem:$0x3FDB];
	s0 =	simm.s32 @p2 $0x1  }
0x17: {  	s4 =	simm.s32 $0x1BF5;
	[smem:$0x3FB5] =	sst s0  }
0x18: {  	s0 =	sld [smem:$0x3F98];
	_ =	swait.ge [sflag:s4], $0x0  }
0x19: {  	s7 =	sld [smem:$0x3F99]  }
0x1a: {  	s8 =	sadd.s32 $0xFFFFE003, lr  }
0x1b: {  	s9 =	sadd.s32 $0xFFFFFEF7, lr;
	s5 =	simm.s32 $0xFFFFFFFF;
	p2 =	slt.u32 s8, $0xFFFFF086  }
0x1c: {  	p1 =	slt.u32 s9, $0xF7A;
	s5 =	simm.s32 @!p2 $0x0  }
0x1d: {  	s5 =	simm.s32 @p1 $0x1;
	p0 =	seq.s32 s7, s2  }
0x1e: {  	s7 =	smul.u32 @!p0 $0xF7A, s2;
	p2 =	seq.s32 @!p0 s5, $0x0  }
0x1f: {  	s9 =	smul.u32 $0xF7A, s1;
	s8 =	simm.s32 @!p0 $0x1BF5;
	p2 =	por !p2, p0  }
0x20: {  	[sflag:s8] =	ssyncset.s32 @!p0 $0xFFFFF086;
	s6 =	sadd.s32 @!p0 s3, s7;
	s7 =	simm.s32 @!p0 $0x108  }
0x21: {  	s3 =	sadd.s32 s3, s9;
	s6 =	sadd.s32 @!p0 $0x88, s6;
	s7 =	simm.s32 @p2 $0x1082  }
0x22: {  	[simem:s7], [sflag:s8] =	dma.local @!p0 [hbm:s6], $0xF7A  }
0x23: {  	s9 =	sor.u32 $0xD0000000, s2;
	s6 =	simm.s32 $0x108;
	_ =	swait.ge @!p0 [sflag:s8], $0x0  }
0x24: {  	s3 =	sadd.s32 $0x88, s3;
	s6 =	simm.s32 @!p1 $0x1082;
	[sflag:s4] =	ssyncset.s32 $0xFFFFF086  }
0x25: {  	[simem:s6], [sflag:s4] =	dma.local [hbm:s3], $0xF7A  }
0x26: {  	[smem:$0x3F99] =	sst s1;
	(tag) =	ssettag s2;
	_ =	strace s9  }
0x27: {  	s1 =	sld [smem:$0x3FA9]  }
0x28: {  	s2 =	sld [smem:$0x3FAA]  }
0x29: {  	s4 =	sld [smem:$0x3FAC]  }
0x2a: {  	p0 =	seq.s32 s5, $0x0;
	s5 =	sld [smem:$0x3FAD]  }
0x2b: {  	s6 =	sld [smem:$0x3FAE]  }
0x2c: {  	s7 =	sld [smem:$0x3FAF]  }
0x2d: {  	s3 =	simm.s32 $0x108;
	s8 =	sld [smem:$0x3FB0]  }
0x2e: {  	s3 =	simm.s32 @!p0 $0x1082;
	s9 =	sld [smem:$0x3FB1]  }
0x2f: {  	lr =	sadd.s32 s0, s3;
	s0 =	sld [smem:$0x3FA8]  }
0x30: {  	s3 =	sld [smem:$0x3FAB]  }
0x31: {  	[smem:$0x3FB4] =	sst s10  }
0x32: {  	s10 =	sld [smem:$0x3FB2];
	_ =	sdelay $0x3  }
0x33: {  	p0 =	seq.s32 s10, $0x1;
	s10 =	sld [smem:$0x3FB4];
	_ =	sdelay $0x3  }
0x34: {  	[smem:$0x3FB4] =	sst s10  }
0x35: {  	s10 =	sld [smem:$0x3FB3];
	_ =	sdelay $0x3  }
0x36: {  	p1 =	seq.s32 s10, $0x1;
	s10 =	sld [smem:$0x3FB4];
	_ =	sdelay $0x3  }
0x37: {  	[smem:$0x3FB4] =	sst s10  }
0x38: {  	s10 =	sld [smem:$0x3FB5]  }
0x39: {  	_ = 	snop;
	(pc) =	sbr.ind lr, $3  }
0x3a: {  	_ = 	snop  }
0x3b: {  	_ = 	snop  }
0x3c: {  	p2 =	seq.s32 s10, $0x1;
	s10 =	sld [smem:$0x3FB4]  }
0x3d: {  	_ =	shalt  }
0x3e: {  	_ =	shalt  }
0x3f: {  	_ =	shalt  }
0x40: {  	_ =	shalt  }
0x41: {  	_ =	shalt  }
0x42: {  	_ =	shalt  }
0x43: {  	_ =	shalt  }
0x44: {  	_ =	shalt  }
0x45: {  	_ =	shalt  }
0x46: {  	_ =	shalt  }
0x47: {  	_ =	shalt  }
0x48: {  	_ =	shalt  }
0x49: {  	_ =	shalt  }
0x4a: {  	_ =	shalt  }
0x4b: {  	_ =	shalt  }
0x4c: {  	_ =	shalt  }
0x4d: {  	_ =	shalt  }
0x4e: {  	_ =	shalt  }
0x4f: {  	_ =	shalt  }
0x50: {  	_ =	shalt  }
0x51: {  	_ =	shalt  }
0x52: {  	_ =	shalt  }
0x53: {  	_ =	shalt  }
0x54: {  	_ =	shalt  }
0x55: {  	_ =	shalt  }
0x56: {  	_ =	shalt  }
0x57: {  	_ =	shalt  }
0x58: {  	_ =	shalt  }
0x59: {  	_ =	shalt  }
0x5a: {  	_ =	shalt  }
0x5b: {  	_ =	shalt  }
0x5c: {  	_ =	shalt  }
0x5d: {  	_ =	shalt  }
0x5e: {  	_ =	shalt  }
0x5f: {  	_ =	shalt  }
0x60: {  	_ =	shalt  }
0x61: {  	_ =	shalt  }
0x62: {  	_ =	shalt  }
0x63: {  	_ =	shalt  }
0x64: {  	_ =	shalt  }
0x65: {  	_ =	shalt  }
0x66: {  	_ =	shalt  }
0x67: {  	_ =	shalt  }
0x68: {  	_ =	shalt  }
0x69: {  	_ =	shalt  }
0x6a: {  	_ =	shalt  }
0x6b: {  	_ =	shalt  }
0x6c: {  	_ =	shalt  }
0x6d: {  	_ =	shalt  }
0x6e: {  	_ =	shalt  }
0x6f: {  	_ =	shalt  }
0x70: {  	_ =	shalt  }
0x71: {  	_ =	shalt  }
0x72: {  	_ =	shalt  }
0x73: {  	_ =	shalt  }
0x74: {  	_ =	shalt  }
0x75: {  	_ =	shalt  }
0x76: {  	_ =	shalt  }
0x77: {  	_ =	shalt  }
0x78: {  	_ =	shalt  }
0x79: {  	_ =	shalt  }
0x7a: {  	_ =	shalt  }
0x7b: {  	_ =	shalt  }
0x7c: {  	_ =	shalt  }
0x7d: {  	_ =	shalt  }
0x7e: {  	_ =	shalt  }
0x7f: {  	_ =	shalt  }
0x80: {  	_ =	shalt  }
0x81: {  	_ =	shalt  }
0x82: {  	_ =	shalt  }
0x83: {  	_ =	shalt  }
0x84: {  	_ =	shalt  }
0x85: {  	_ =	shalt  }
0x86: {  	_ =	shalt  }
0x87: {  	_ =	shalt  }
.Lfunc_end0:
.L_simem_size_0:
called_computation_lowered:
.L_overlay_start_0:
0x88: {  	s2 =	sld [smem:$0x3FD9]  }
0x89: {  	s3 =	sld [smem:$0x3FFE];
	_ =	sdelay $0x1  }
0x8a: {  	s1 =	srdreg.scid  }
0x8b: {  	s0 =	sand.u32 $0x1, s1  }
0x8c: {  	s17 =	sshll.u32 s0, $0xA;
	s2 =	sadd.s32 s3, s2  }
0x8d: {  	s2 =	sadd.s32 s2, s17  }
0x8e: {  	[smem:$0x3FC0] =	sst s2  }
0x8f: {  	_ = 	snop  }
0x90: {  	s2 =	sld [smem:$0x3FD0];
	(tm) =	ssettm $0x1  }
0x91: {  	s18 =	sld [smem:$0x3FFB];
	_ =	sdelay $0x3  }
0x92: {  	_ =	strace s18  }
0x93: {  	s3 =	sld [smem:$0x3FFC];
	_ =	sdelay $0x3  }
0x94: {  	_ =	strace s3  }
0x95: {  	s3 =	sld [smem:$0x3FFD];
	_ =	sdelay $0x3  }
0x96: {  	_ =	strace s3  }
0x97: {  	_ =	strace $0x8FFFFFFF  }
0x98: {  	s19 =	sld [smem:$0x3FDB];
	_ =	sdelay $0x1  }
0x99: {  	s4 =	simm.s32 $_scs_section_size  }
0x9a: {  	s5 =	simm.s32 $_size__tile_overlayer_lowered;
	s6 =	simm.s32 $_tile_overlayer_lowered  }
0x9b: {  	s22 =	simm.s32 $0x1BFF;
	s21 =	sshll.u32 s6, $0x1;
	s3 =	sadd.s32 s4, s19  }
0x9c: {  	s7 =	simm.s32 $0x0;
	s20 =	sshll.u32 s5, $0x1;
	s5 =	sadd.s32 s21, s3  }
0x9d: {  	[timem:s7], [sflag:s22] =	dma.local [hbm:s5], s20  }
0x9e: {  	_ =	swait.ge [sflag:s22], s20  }
0x9f: {  	s4 =	ssub.s32 $0x0, s20;
	[sflag:s22] =	ssyncset.done $0x0  }
0xa0: {  	[sflag:s22] =	ssyncadd.s32 s4;
	_ =	sdelay $0x1  }
0xa1: {  	s23 =	simm.s32 $0x1B8B  }
0xa2: {  	_ =	swait.ge [sflag:s23], $0x1  }
0xa3: {  	[sflag:s23] =	ssyncset.done $0x0  }
0xa4: {  	s25 =	simm.s32 $0x1B8E;
	s24 =	sld [smem:$0x3FFE];
	[sflag:s23] =	ssyncadd.s32 $0xFFFFFFFF  }
0xa5: {  	s26 =	simm.s32 $execute0_lowered;
	[smem:$0x3FD2] =	sst s25  }
0xa6: {  	s5 =	sshll.u32 s26, $0x1;
	_ =	strace $0x80000046;
	[dreg:$0x1] =	wrdreg $0xFFFFFFFF  }
0xa7: {  	s28 =	simm.s32 $_size_execute0_lowered;
	s3 =	sadd.s32 s3, s5;
	[dreg:$0x0] =	wrdreg $0x0  }
0xa8: {  	s5 =	sshll.u32 s28, $0x1;
	[dreg:$0x2] =	wrdreg s3  }
0xa9: {  	[dreg:$0x3] =	wrdreg s5  }
0xaa: {  	[dreg:$0x4] =	wrdreg $0xC0  }
0xab: {  	_ =	task [dreg:s7], $0x5FFFF  }
0xac: {  	[dreg:$0x1] =	wrdreg $0xFFFFFFFF  }
0xad: {  	[dreg:$0x0] =	wrdreg $0x60  }
0xae: {  	[dreg:$0x2] =	wrdreg s24  }
0xaf: {  	[dreg:$0x3] =	wrdreg s2  }
0xb0: {  	[dreg:$0x4] =	wrdreg $0x88000  }
0xb1: {  	[dreg:$0x5] =	wrdreg $0x9  }
0xb2: {  	_ =	task.clear_ibuf [dreg:s7], $0x6FFFF;
	_ =	strace $0x90000046  }
0xb3: {  	s29 =	simm.s32 $0x9;
	_ =	strace $0x80000048  }
0xb4: {  	_ =	swait.ge [sflag:s29], $0x1  }
0xb5: {  	[sflag:s29] =	ssyncadd.s32 $0xFFFFFFFF  }
0xb6: {  	_ =	strace $0x90000048  }
0xb7: {  	_ =	sfence  }
0xb8: {  	s30 =	sld [smem:$0x0];
	_ =	sdelay $0x2  }
0xb9: {  	s31 =	sshll.u32 s1, $0xD;
	s1 =	sshrl.u32 s1, $0x2  }
0xba: {  	s3 =	sand.u32 $0x4000, s31;
	s1 =	sadd.s32 s1, s30  }
0xbb: {  	s0 =	sor.u32 s3, s0;
	s1 =	sshll.u32 s1, $0x11  }
0xbc: {  	s0 =	sor.u32 s1, s0  }
0xbd: {  	s0 =	sadd.s32 $0x8F2B, s0  }
0xbe: {  	[sflag:s0] =	ssyncadd.remote.s32 $0x1  }
0xbf: {  	_ =	sfence.sel $0xFFFF  }
0xc0: {  	[dreg:$0x0] =	wrdreg $0xFFFFFFFF;
	(pc) =	sbr.abs _section_cstart, $3  }
0xc1: {  	[dreg:$0x1] =	wrdreg $0xFFFFFFFF  }
0xc2: {  	_ =	task.clear_ibuf [dreg:s7], $0x2FFFF;
	_ =	strace $0x9FFFFFFF  }
0xc3: {  	(tm) =	ssettm $0x7FFFFFFF  }
tec
execute0_lowered:
.L_overlay_start_1:
0x0: {  	(tag) =	ssettag $0x1  }
0x1: {  	s1 =	rddreg [dreg:$0x0]  }
0x2: {  	s0 =	rddreg [dreg:$0x1]  }
0x3: {  	s2 =	rddreg [dreg:$0x2];
	s12 =	stileid.u32  }
0x4: {  	s4 =	srdreg.scid;
	s3 =	simm.s32 $0x0;
	s6 =	smul.u32 $0x2800, s12  }
0x5: {  	s28 =	simm.s32 $0x1;
	s29 =	simm.s32 $0x4800;
	s11 =	smul.u32 $0x50000, s12  }
0x6: {  	s30 =	simm.s32 $0x100;
	s31 =	simm.s32 $0x480;
	s22 =	smul.u32 $0x280, s12  }
0x7: {  	s5 =	sand.u32 $0x1, s4;
	[smem:$0x7FF] =	sst s3;
	s12 =	smul.u32 $0x14000, s12  }
0x8: {  	s4 =	sadd.s32 $0xB400, s1;
	s8 =	sadd.s32 $0x33400, s1;
	s7 =	smul.u32 $0x28000, s5  }
0x9: {  	_ =	strace $0x80000047;
	s9 =	ssub.s32 $0x2, s5;
	p0 =	seq.s32 s5, $0x0  }
0xa: {  	s5 =	smul.u32 $0x140000, s5;
	s10 =	sshrl.u32 s9, $0x1;
	s11 =	sshrl.u32 s11, $0x2  }
0xb: {  	s23 =	sadd.s32 $0x80, s22;
	s24 =	sadd.s32 $0x100, s22;
	s14 =	sadd.s32 $0x180, s22  }
0xc: {  	s18 =	sadd.s32 $0x200, s22;
	s8 =	smov.u32 @p0 s4;
	s7 =	sadd.s32 s6, s7  }
0xd: {  	s9 =	ssub.s32 s9, s10;
	s20 =	sadd.s32 s11, s2;
	s15 =	sshll.u32 s23, $0x4  }
0xe: {  	s16 =	sshll.u32 s24, $0x4;
	s17 =	sshll.u32 s14, $0x4;
	s12 =	sadd.s32 s5, s12  }
0xf: {  	s19 =	sshll.u32 s18, $0x4;
	s11 =	simm.s32 $0x600;
	s7 =	sshrl.u32 s7, $0x3  }
0x10: {  	s9 =	smax.u32 s9, $0x1;
	s25 =	sshrl.u32 s12, $0x3;
	s13 =	sadd.s32 s7, s1  }
0x11: {  	s1 =	sadd.s32 $0x5B400, s1;
	[dreg:$0x4] =	wrdreg s9;
	s9 =	sshll.u32 s23, $0x7  }
0x12: {  	s23 =	sshll.u32 s24, $0x7;
	s24 =	sshll.u32 s14, $0x7;
	s26 =	sadd.s32 s5, s9  }
0x13: {  	s10 =	sadd.s32 s1, s25;
	s21 =	sadd.s32 s9, s2;
	s9 =	sadd.s32 s5, s23  }
0x14: {  	s25 =	sadd.s32 s5, s24;
	[dreg:$0x5] =	wrdreg s10;
	s12 =	sshrl.u32 s26, $0x3  }
0x15: {  	s10 =	sadd.s32 s23, s2;
	s9 =	sshrl.u32 s9, $0x3;
	s26 =	sshll.u32 s18, $0x7  }
0x16: {  	s18 =	sshrl.u32 s25, $0x3;
	s23 =	sadd.s32 s8, s15;
	s25 =	sadd.s32 s8, s17  }
0x17: {  	s15 =	simm.s32 $0x680;
	s17 =	simm.s32 $0x700;
	s22 =	sadd.s32 s1, s12  }
0x18: {  	s9 =	sadd.s32 s1, s9;
	s5 =	sadd.s32 s5, s26;
	[dreg:$0xf] =	wrdreg s23  }
0x19: {  	s12 =	sadd.s32 s24, s2;
	s14 =	sadd.s32 s26, s2;
	[dreg:$0x11] =	wrdreg s25  }
0x1a: {  	s24 =	sadd.s32 s8, s16;
	s26 =	sadd.s32 s8, s19;
	[dreg:$0x8] =	wrdreg s10  }
0x1b: {  	s23 =	simm.s32 $0x800;
	s25 =	simm.s32 $0x400;
	[dreg:$0x7] =	wrdreg s22  }
0x1c: {  	s16 =	simm.s32 $0x380;
	s19 =	simm.s32 $0x0;
	[dreg:$0x9] =	wrdreg s9  }
0x1d: {  	s9 =	sadd.s32 s1, s18;
	s5 =	sshrl.u32 s5, $0x3;
	[dreg:$0x10] =	wrdreg s24  }
0x1e: {  	s22 =	sadd.s32 s8, s6;
	[dreg:$0x12] =	wrdreg s26;
	s8 =	smov.u32 s21  }
0x1f: {  	s21 =	sadd.s32 $0x1400, s13;
	s24 =	simm.s32 $0x2;
	[dreg:$0xa] =	wrdreg s12  }
0x20: {  	s26 =	simm.s32 $0x80;
	s6 =	simm.s32 $0x200;
	[dreg:$0xc] =	wrdreg s14  }
0x21: {  	s13 =	simm.s32 $0x300;
	s18 =	simm.s32 $0x780;
	[dreg:$0xb] =	wrdreg s9  }
0x22: {  	s1 =	sadd.s32 s1, s5;
	[dreg:$0xe] =	wrdreg s22;
	s22 =	sadd.s32 s7, s0  }
0x23: {  	s0 =	simm.s32 $0x180;
	s7 =	simm.s32 $0x580;
	[dreg:$0x6] =	wrdreg s8  }
0x24: {  	s9 =	simm.s32 $0x280;
	[dreg:$0xd] =	wrdreg s1;
	s1 =	simm.s32 $0x500  }
.LBB2_1:
0x25: {  	s5 =	rddreg [dreg:$0xe]  }
0x26: {  	[tilespmem:s23], [sflag:$0x2] =	stream.linear.gather [hbm4b:s5+s3], $0x4000, $0x38;
	[tilespmem:$0x1C800] =	vst v63  }
0x27: {  	_ =	swait.ge [sflag:s24], $0x4000  }
0x28: {  	[sflag:s24] =	ssyncset.done $0x0  }
0x29: {  	[sflag:s24] =	ssyncadd.s32 $0xFFFFC000  }
0x2a: {  	[spmem:s20] =	stream.linear.scatter [tilespmem:s23], [sflag:$0x2], $0x4000, $0x38;
	[tilespmem:$0x1C800] =	vst v63  }
0x2b: {  	_ =	swait.ge [sflag:s24], $0x4000  }
0x2c: {  	s5 =	smov.u32 s14;
	[sflag:s24] =	ssyncset.done $0x0  }
0x2d: {  	s14 =	smov.u32 s20;
	s20 =	rddreg [dreg:$0xf];
	[sflag:s24] =	ssyncadd.s32 $0xFFFFC000  }
0x2e: {  	[tilespmem:s23], [sflag:$0x2] =	stream.linear.gather [hbm4b:s20+s3], $0x4000, $0x38;
	[tilespmem:$0x1C800] =	vst v63  }
0x2f: {  	_ =	swait.ge [sflag:s24], $0x4000  }
0x30: {  	[sflag:s24] =	ssyncset.done $0x0  }
0x31: {  	[sflag:s24] =	ssyncadd.s32 $0xFFFFC000  }
0x32: {  	[spmem:s8] =	stream.linear.scatter [tilespmem:s23], [sflag:$0x2], $0x4000, $0x38;
	[tilespmem:$0x1C800] =	vst v63  }
0x33: {  	_ =	swait.ge [sflag:s24], $0x4000  }
0x34: {  	[sflag:s24] =	ssyncset.done $0x0  }
0x35: {  	s20 =	rddreg [dreg:$0x10];
	[sflag:s24] =	ssyncadd.s32 $0xFFFFC000  }
0x36: {  	[tilespmem:s23], [sflag:$0x2] =	stream.linear.gather [hbm4b:s20+s3], $0x4000, $0x38;
	[tilespmem:$0x1C800] =	vst v63  }
0x37: {  	_ =	swait.ge [sflag:s24], $0x4000  }
0x38: {  	[sflag:s24] =	ssyncset.done $0x0  }
0x39: {  	[sflag:s24] =	ssyncadd.s32 $0xFFFFC000  }
0x3a: {  	[spmem:s10] =	stream.linear.scatter [tilespmem:s23], [sflag:$0x2], $0x4000, $0x38;
	[tilespmem:$0x1C800] =	vst v63  }
0x3b: {  	_ =	swait.ge [sflag:s24], $0x4000  }
0x3c: {  	[sflag:s24] =	ssyncset.done $0x0  }
0x3d: {  	s20 =	rddreg [dreg:$0x11];
	[sflag:s24] =	ssyncadd.s32 $0xFFFFC000  }
0x3e: {  	[tilespmem:s23], [sflag:$0x2] =	stream.linear.gather [hbm4b:s20+s3], $0x4000, $0x38;
	[tilespmem:$0x1C800] =	vst v63  }
0x3f: {  	_ =	swait.ge [sflag:s24], $0x4000  }
0x40: {  	[sflag:s24] =	ssyncset.done $0x0  }
0x41: {  	[sflag:s24] =	ssyncadd.s32 $0xFFFFC000  }
0x42: {  	[spmem:s12] =	stream.linear.scatter [tilespmem:s23], [sflag:$0x2], $0x4000, $0x38;
	[tilespmem:$0x1C800] =	vst v63  }
0x43: {  	_ =	swait.ge [sflag:s24], $0x4000  }
0x44: {  	[sflag:s24] =	ssyncset.done $0x0  }
0x45: {  	s10 =	rddreg [dreg:$0x12];
	[sflag:s24] =	ssyncadd.s32 $0xFFFFC000  }
0x46: {  	[tilespmem:s23], [sflag:$0x2] =	stream.linear.gather [hbm4b:s10+s3], $0x4000, $0x38;
	[tilespmem:$0x1C800] =	vst v63  }
0x47: {  	_ =	swait.ge [sflag:s24], $0x4000  }
0x48: {  	[sflag:s24] =	ssyncset.done $0x0  }
0x49: {  	[sflag:s24] =	ssyncadd.s32 $0xFFFFC000  }
0x4a: {  	[spmem:s5] =	stream.linear.scatter [tilespmem:s23], [sflag:$0x2], $0x4000, $0x38;
	[tilespmem:$0x1C800] =	vst v63  }
0x4b: {  	_ =	swait.ge [sflag:s24], $0x4000  }
0x4c: {  	[sflag:s24] =	ssyncset.done $0x0  }
0x4d: {  	[sflag:s24] =	ssyncadd.s32 $0xFFFFC000  }
0x4e: {  	s12 =	sadd.s32 $0x0, s22;
	[bflag:$0x0] =	sbarrier.arrive $0xFFFF  }
0x4f: {  	[tilespmem:s3], [sflag:$0x2] =	stream.linear.gather [hbm4b:s12+s3], $0x400, $0x38;
	[tilespmem:$0x1C800] =	vst v63  }
0x50: {  	_ =	swait.ge [sflag:s24], $0x400  }
0x51: {  	[sflag:s24] =	ssyncset.done $0x0  }
0x52: {  	s20 =	sadd.s32 $0x0, s21;
	[sflag:s24] =	ssyncadd.s32 $0xFFFFFC00  }
0x53: {  	[tilespmem:s25], [sflag:$0x2] =	stream.linear.gather [hbm4b:s20+s3], $0x400, $0x38;
	[tilespmem:$0x1C800] =	vst v63  }
0x54: {  	_ =	swait.ge [sflag:s24], $0x400  }
0x55: {  	[sflag:s24] =	ssyncset.done $0x0  }
0x56: {  	[sflag:s24] =	ssyncadd.s32 $0xFFFFFC00  }
0x57: {  	[tilespmem:s23], [sflag:$0x1] =	stream.indirect.gather [hbm4b:s4+s26], $0x80, s3, s26, $0xb8;
	[tilespmem:$0x1C800] =	vst v63  }
0x58: {  	_ =	swait.ge [sflag:s28], $0x4000  }
0x59: {  	[sflag:s28] =	ssyncset.done $0x0  }
0x5a: {  	[sflag:s28] =	ssyncadd.s32 $0xFFFFC000  }
0x5b: {  	[tilespmem:s29], [sflag:$0x1] =	stream.indirect.gather [hbm4b:s4+s26], $0x80, s26, s26, $0xb8;
	[tilespmem:$0x1C800] =	vst v63  }
0x5c: {  	_ = 	snop  }
0x5d: {  	[spmem:s2] =	stream.indirect.scatter.add.f32 [tilespmem:s23], [sflag:$0x2], $0x80, s25, s26, $0xb8;
	[tilespmem:$0x1C800] =	vst v63  }
0x5e: {  	_ =	swait.ge [sflag:s24], $0x4000  }
0x5f: {  	[sflag:s24] =	ssyncset.done $0x0  }
0x60: {  	[sflag:s24] =	ssyncadd.s32 $0xFFFFC000  }
0x61: {  	_ =	swait.ge [sflag:s28], $0x4000  }
0x62: {  	[sflag:s28] =	ssyncset.done $0x0  }
0x63: {  	[sflag:s28] =	ssyncadd.s32 $0xFFFFC000  }
0x64: {  	[tilespmem:s23], [sflag:$0x1] =	stream.indirect.gather [hbm4b:s4+s26], $0x80, s30, s26, $0xb8;
	[tilespmem:$0x1C800] =	vst v63  }
0x65: {  	_ = 	snop  }
0x66: {  	[spmem:s2] =	stream.indirect.scatter.add.f32 [tilespmem:s29], [sflag:$0x2], $0x80, s31, s26, $0xb8;
	[tilespmem:$0x1C800] =	vst v63  }
0x67: {  	_ =	swait.ge [sflag:s24], $0x4000  }
0x68: {  	[sflag:s24] =	ssyncset.done $0x0  }
0x69: {  	[sflag:s24] =	ssyncadd.s32 $0xFFFFC000  }
0x6a: {  	_ =	swait.ge [sflag:s28], $0x4000  }
0x6b: {  	[sflag:s28] =	ssyncset.done $0x0  }
0x6c: {  	[sflag:s28] =	ssyncadd.s32 $0xFFFFC000  }
0x6d: {  	[tilespmem:s29], [sflag:$0x1] =	stream.indirect.gather [hbm4b:s4+s26], $0x80, s0, s26, $0xb8;
	[tilespmem:$0x1C800] =	vst v63  }
0x6e: {  	_ = 	snop  }
0x6f: {  	[spmem:s2] =	stream.indirect.scatter.add.f32 [tilespmem:s23], [sflag:$0x2], $0x80, s1, s26, $0xb8;
	[tilespmem:$0x1C800] =	vst v63  }
0x70: {  	_ =	swait.ge [sflag:s24], $0x4000  }
0x71: {  	[sflag:s24] =	ssyncset.done $0x0  }
0x72: {  	[sflag:s24] =	ssyncadd.s32 $0xFFFFC000  }
0x73: {  	_ =	swait.ge [sflag:s28], $0x4000  }
0x74: {  	[sflag:s28] =	ssyncset.done $0x0  }
0x75: {  	[sflag:s28] =	ssyncadd.s32 $0xFFFFC000  }
0x76: {  	[tilespmem:s23], [sflag:$0x1] =	stream.indirect.gather [hbm4b:s4+s26], $0x80, s6, s26, $0xb8;
	[tilespmem:$0x1C800] =	vst v63  }
0x77: {  	_ = 	snop  }
0x78: {  	[spmem:s2] =	stream.indirect.scatter.add.f32 [tilespmem:s29], [sflag:$0x2], $0x80, s7, s26, $0xb8;
	[tilespmem:$0x1C800] =	vst v63  }
0x79: {  	_ =	swait.ge [sflag:s24], $0x4000  }
0x7a: {  	[sflag:s24] =	ssyncset.done $0x0  }
0x7b: {  	[sflag:s24] =	ssyncadd.s32 $0xFFFFC000  }
0x7c: {  	_ =	swait.ge [sflag:s28], $0x4000  }
0x7d: {  	[sflag:s28] =	ssyncset.done $0x0  }
0x7e: {  	[sflag:s28] =	ssyncadd.s32 $0xFFFFC000  }
0x7f: {  	[tilespmem:s29], [sflag:$0x1] =	stream.indirect.gather [hbm4b:s4+s26], $0x80, s9, s26, $0xb8;
	[tilespmem:$0x1C800] =	vst v63  }
0x80: {  	_ = 	snop  }
0x81: {  	[spmem:s2] =	stream.indirect.scatter.add.f32 [tilespmem:s23], [sflag:$0x2], $0x80, s11, s26, $0xb8;
	[tilespmem:$0x1C800] =	vst v63  }
0x82: {  	_ =	swait.ge [sflag:s24], $0x4000  }
0x83: {  	[sflag:s24] =	ssyncset.done $0x0  }
0x84: {  	[sflag:s24] =	ssyncadd.s32 $0xFFFFC000  }
0x85: {  	_ =	swait.ge [sflag:s28], $0x4000  }
0x86: {  	[sflag:s28] =	ssyncset.done $0x0  }
0x87: {  	[sflag:s28] =	ssyncadd.s32 $0xFFFFC000  }
0x88: {  	[tilespmem:s23], [sflag:$0x1] =	stream.indirect.gather [hbm4b:s4+s26], $0x80, s13, s26, $0xb8;
	[tilespmem:$0x1C800] =	vst v63  }
0x89: {  	_ = 	snop  }
0x8a: {  	[spmem:s2] =	stream.indirect.scatter.add.f32 [tilespmem:s29], [sflag:$0x2], $0x80, s15, s26, $0xb8;
	[tilespmem:$0x1C800] =	vst v63  }
0x8b: {  	_ =	swait.ge [sflag:s24], $0x4000  }
0x8c: {  	[sflag:s24] =	ssyncset.done $0x0  }
0x8d: {  	[sflag:s24] =	ssyncadd.s32 $0xFFFFC000  }
0x8e: {  	_ =	swait.ge [sflag:s28], $0x4000  }
0x8f: {  	[sflag:s28] =	ssyncset.done $0x0  }
0x90: {  	[sflag:s28] =	ssyncadd.s32 $0xFFFFC000  }
0x91: {  	[tilespmem:s29], [sflag:$0x1] =	stream.indirect.gather [hbm4b:s4+s26], $0x80, s16, s26, $0xb8;
	[tilespmem:$0x1C800] =	vst v63  }
0x92: {  	_ = 	snop  }
0x93: {  	[spmem:s2] =	stream.indirect.scatter.add.f32 [tilespmem:s23], [sflag:$0x2], $0x80, s17, s26, $0xb8;
	[tilespmem:$0x1C800] =	vst v63  }
0x94: {  	_ =	swait.ge [sflag:s24], $0x4000  }
0x95: {  	[sflag:s24] =	ssyncset.done $0x0  }
0x96: {  	[sflag:s24] =	ssyncadd.s32 $0xFFFFC000  }
0x97: {  	_ =	swait.ge [sflag:s28], $0x4000  }
0x98: {  	[sflag:s28] =	ssyncset.done $0x0  }
0x99: {  	[sflag:s28] =	ssyncadd.s32 $0xFFFFC000  }
0x9a: {  	[spmem:s2] =	stream.indirect.scatter.add.f32 [tilespmem:s29], [sflag:$0x2], $0x80, s18, s26, $0xb8;
	[tilespmem:$0x1C800] =	vst v63  }
0x9b: {  	_ =	swait.ge [sflag:s24], $0x4000  }
0x9c: {  	s5 =	simm.s32 $0x100;
	s20 =	simm.s32 $0x80;
	[sflag:s24] =	ssyncset.done $0x0  }
.LBB2_2:
0x9d: {  	s10 =	sadd.s32 s20, s22  }
0x9e: {  	[sflag:s24] =	ssyncadd.s32 $0xFFFFC000;
	s12 =	smov.u32 s5;
	s8 =	sadd.s32 $0x80, s5  }
0x9f: {  	[tilespmem:s3], [sflag:$0x2] =	stream.linear.gather [hbm4b:s10+s3], $0x400, $0x38;
	[tilespmem:$0x1C800] =	vst v63  }
0xa0: {  	p0 =	sne.s32 s5, $0x480;
	_ =	swait.ge [sflag:s24], $0x400  }
0xa1: {  	[sflag:s24] =	ssyncset.done $0x0  }
0xa2: {  	s5 =	sadd.s32 s20, s21;
	s20 =	smov.u32 s12;
	[sflag:s24] =	ssyncadd.s32 $0xFFFFFC00  }
0xa3: {  	[tilespmem:s25], [sflag:$0x2] =	stream.linear.gather [hbm4b:s5+s3], $0x400, $0x38;
	[tilespmem:$0x1C800] =	vst v63  }
0xa4: {  	_ =	swait.ge [sflag:s24], $0x400  }
0xa5: {  	[sflag:s24] =	ssyncset.done $0x0  }
0xa6: {  	[sflag:s24] =	ssyncadd.s32 $0xFFFFFC00  }
0xa7: {  	[tilespmem:s23], [sflag:$0x1] =	stream.indirect.gather [hbm4b:s4+s26], $0x80, s3, s26, $0xb8;
	[tilespmem:$0x1C800] =	vst v63  }
0xa8: {  	_ =	swait.ge [sflag:s28], $0x4000  }
0xa9: {  	[sflag:s28] =	ssyncset.done $0x0  }
0xaa: {  	[sflag:s28] =	ssyncadd.s32 $0xFFFFC000  }
0xab: {  	[tilespmem:s29], [sflag:$0x1] =	stream.indirect.gather [hbm4b:s4+s26], $0x80, s26, s26, $0xb8;
	[tilespmem:$0x1C800] =	vst v63  }
0xac: {  	_ = 	snop  }
0xad: {  	[spmem:s2] =	stream.indirect.scatter.add.f32 [tilespmem:s23], [sflag:$0x2], $0x80, s25, s26, $0xb8;
	[tilespmem:$0x1C800] =	vst v63  }
0xae: {  	_ =	swait.ge [sflag:s24], $0x4000  }
0xaf: {  	[sflag:s24] =	ssyncset.done $0x0  }
0xb0: {  	[sflag:s24] =	ssyncadd.s32 $0xFFFFC000  }
0xb1: {  	_ =	swait.ge [sflag:s28], $0x4000  }
0xb2: {  	[sflag:s28] =	ssyncset.done $0x0  }
0xb3: {  	[sflag:s28] =	ssyncadd.s32 $0xFFFFC000  }
0xb4: {  	[tilespmem:s23], [sflag:$0x1] =	stream.indirect.gather [hbm4b:s4+s26], $0x80, s30, s26, $0xb8;
	[tilespmem:$0x1C800] =	vst v63  }
0xb5: {  	_ = 	snop  }
0xb6: {  	[spmem:s2] =	stream.indirect.scatter.add.f32 [tilespmem:s29], [sflag:$0x2], $0x80, s31, s26, $0xb8;
	[tilespmem:$0x1C800] =	vst v63  }
0xb7: {  	_ =	swait.ge [sflag:s24], $0x4000  }
0xb8: {  	[sflag:s24] =	ssyncset.done $0x0  }
0xb9: {  	[sflag:s24] =	ssyncadd.s32 $0xFFFFC000  }
0xba: {  	_ =	swait.ge [sflag:s28], $0x4000  }
0xbb: {  	[sflag:s28] =	ssyncset.done $0x0  }
0xbc: {  	[sflag:s28] =	ssyncadd.s32 $0xFFFFC000  }
0xbd: {  	[tilespmem:s29], [sflag:$0x1] =	stream.indirect.gather [hbm4b:s4+s26], $0x80, s0, s26, $0xb8;
	[tilespmem:$0x1C800] =	vst v63  }
0xbe: {  	_ = 	snop  }
0xbf: {  	[spmem:s2] =	stream.indirect.scatter.add.f32 [tilespmem:s23], [sflag:$0x2], $0x80, s1, s26, $0xb8;
	[tilespmem:$0x1C800] =	vst v63  }
0xc0: {  	_ =	swait.ge [sflag:s24], $0x4000  }
0xc1: {  	[sflag:s24] =	ssyncset.done $0x0  }
0xc2: {  	[sflag:s24] =	ssyncadd.s32 $0xFFFFC000  }
0xc3: {  	_ =	swait.ge [sflag:s28], $0x4000  }
0xc4: {  	[sflag:s28] =	ssyncset.done $0x0  }
0xc5: {  	[sflag:s28] =	ssyncadd.s32 $0xFFFFC000  }
0xc6: {  	[tilespmem:s23], [sflag:$0x1] =	stream.indirect.gather [hbm4b:s4+s26], $0x80, s6, s26, $0xb8;
	[tilespmem:$0x1C800] =	vst v63  }
0xc7: {  	_ = 	snop  }
0xc8: {  	[spmem:s2] =	stream.indirect.scatter.add.f32 [tilespmem:s29], [sflag:$0x2], $0x80, s7, s26, $0xb8;
	[tilespmem:$0x1C800] =	vst v63  }
0xc9: {  	_ =	swait.ge [sflag:s24], $0x4000  }
0xca: {  	[sflag:s24] =	ssyncset.done $0x0  }
0xcb: {  	[sflag:s24] =	ssyncadd.s32 $0xFFFFC000  }
0xcc: {  	_ =	swait.ge [sflag:s28], $0x4000  }
0xcd: {  	[sflag:s28] =	ssyncset.done $0x0  }
0xce: {  	[sflag:s28] =	ssyncadd.s32 $0xFFFFC000  }
0xcf: {  	[tilespmem:s29], [sflag:$0x1] =	stream.indirect.gather [hbm4b:s4+s26], $0x80, s9, s26, $0xb8;
	[tilespmem:$0x1C800] =	vst v63  }
0xd0: {  	_ = 	snop  }
0xd1: {  	[spmem:s2] =	stream.indirect.scatter.add.f32 [tilespmem:s23], [sflag:$0x2], $0x80, s11, s26, $0xb8;
	[tilespmem:$0x1C800] =	vst v63  }
0xd2: {  	_ =	swait.ge [sflag:s24], $0x4000  }
0xd3: {  	[sflag:s24] =	ssyncset.done $0x0  }
0xd4: {  	[sflag:s24] =	ssyncadd.s32 $0xFFFFC000  }
0xd5: {  	_ =	swait.ge [sflag:s28], $0x4000  }
0xd6: {  	[sflag:s28] =	ssyncset.done $0x0  }
0xd7: {  	[sflag:s28] =	ssyncadd.s32 $0xFFFFC000  }
0xd8: {  	[tilespmem:s23], [sflag:$0x1] =	stream.indirect.gather [hbm4b:s4+s26], $0x80, s13, s26, $0xb8;
	[tilespmem:$0x1C800] =	vst v63  }
0xd9: {  	_ = 	snop  }
0xda: {  	[spmem:s2] =	stream.indirect.scatter.add.f32 [tilespmem:s29], [sflag:$0x2], $0x80, s15, s26, $0xb8;
	[tilespmem:$0x1C800] =	vst v63  }
0xdb: {  	_ =	swait.ge [sflag:s24], $0x4000  }
0xdc: {  	[sflag:s24] =	ssyncset.done $0x0  }
0xdd: {  	[sflag:s24] =	ssyncadd.s32 $0xFFFFC000  }
0xde: {  	_ =	swait.ge [sflag:s28], $0x4000  }
0xdf: {  	[sflag:s28] =	ssyncset.done $0x0  }
0xe0: {  	[sflag:s28] =	ssyncadd.s32 $0xFFFFC000  }
0xe1: {  	[tilespmem:s29], [sflag:$0x1] =	stream.indirect.gather [hbm4b:s4+s26], $0x80, s16, s26, $0xb8;
	[tilespmem:$0x1C800] =	vst v63  }
0xe2: {  	_ = 	snop  }
0xe3: {  	[spmem:s2] =	stream.indirect.scatter.add.f32 [tilespmem:s23], [sflag:$0x2], $0x80, s17, s26, $0xb8;
	[tilespmem:$0x1C800] =	vst v63  }
0xe4: {  	_ =	swait.ge [sflag:s24], $0x4000  }
0xe5: {  	[sflag:s24] =	ssyncset.done $0x0  }
0xe6: {  	[sflag:s24] =	ssyncadd.s32 $0xFFFFC000  }
0xe7: {  	_ =	swait.ge [sflag:s28], $0x4000  }
.Ltmp0:
0xe8: {  	[sflag:s28] =	ssyncset.done $0x0;
	(pc) =	sbr.rel @p0 .LBB2_2-.Ltmp0, $4  }
0xe9: {  	[sflag:s28] =	ssyncadd.s32 $0xFFFFC000  }
0xea: {  	[spmem:s2] =	stream.indirect.scatter.add.f32 [tilespmem:s29], [sflag:$0x2], $0x80, s18, s26, $0xb8;
	[tilespmem:$0x1C800] =	vst v63  }
0xeb: {  	_ =	swait.ge [sflag:s24], $0x4000  }
0xec: {  	s5 =	smov.u32 s8;
	[sflag:s24] =	ssyncset.done $0x0  }
0xed: {  	s5 =	sadd.s32 s20, s22;
	[sflag:s24] =	ssyncadd.s32 $0xFFFFC000  }
0xee: {  	[tilespmem:s3], [sflag:$0x2] =	stream.linear.gather [hbm4b:s5+s3], $0x400, $0x38;
	[tilespmem:$0x1C800] =	vst v63  }
0xef: {  	_ =	swait.ge [sflag:s24], $0x400  }
0xf0: {  	[sflag:s24] =	ssyncset.done $0x0  }
0xf1: {  	s20 =	sadd.s32 s20, s21;
	[sflag:s24] =	ssyncadd.s32 $0xFFFFFC00  }
0xf2: {  	[tilespmem:s25], [sflag:$0x2] =	stream.linear.gather [hbm4b:s20+s3], $0x400, $0x38;
	[tilespmem:$0x1C800] =	vst v63  }
0xf3: {  	_ =	swait.ge [sflag:s24], $0x400  }
0xf4: {  	[sflag:s24] =	ssyncset.done $0x0  }
0xf5: {  	[sflag:s24] =	ssyncadd.s32 $0xFFFFFC00  }
0xf6: {  	[tilespmem:s23], [sflag:$0x1] =	stream.indirect.gather [hbm4b:s4+s26], $0x80, s3, s26, $0xb8;
	[tilespmem:$0x1C800] =	vst v63  }
0xf7: {  	_ =	swait.ge [sflag:s28], $0x4000  }
0xf8: {  	[sflag:s28] =	ssyncset.done $0x0  }
0xf9: {  	[sflag:s28] =	ssyncadd.s32 $0xFFFFC000  }
0xfa: {  	[tilespmem:s29], [sflag:$0x1] =	stream.indirect.gather [hbm4b:s4+s26], $0x80, s26, s26, $0xb8;
	[tilespmem:$0x1C800] =	vst v63  }
0xfb: {  	_ = 	snop  }
0xfc: {  	[spmem:s2] =	stream.indirect.scatter.add.f32 [tilespmem:s23], [sflag:$0x2], $0x80, s25, s26, $0xb8;
	[tilespmem:$0x1C800] =	vst v63  }
0xfd: {  	_ =	swait.ge [sflag:s24], $0x4000  }
0xfe: {  	[sflag:s24] =	ssyncset.done $0x0  }
0xff: {  	[sflag:s24] =	ssyncadd.s32 $0xFFFFC000  }
0x100: {  	_ =	swait.ge [sflag:s28], $0x4000  }
0x101: {  	[sflag:s28] =	ssyncset.done $0x0  }
0x102: {  	[sflag:s28] =	ssyncadd.s32 $0xFFFFC000  }
0x103: {  	[tilespmem:s23], [sflag:$0x1] =	stream.indirect.gather [hbm4b:s4+s26], $0x80, s30, s26, $0xb8;
	[tilespmem:$0x1C800] =	vst v63  }
0x104: {  	_ = 	snop  }
0x105: {  	[spmem:s2] =	stream.indirect.scatter.add.f32 [tilespmem:s29], [sflag:$0x2], $0x80, s31, s26, $0xb8;
	[tilespmem:$0x1C800] =	vst v63  }
0x106: {  	_ =	swait.ge [sflag:s24], $0x4000  }
0x107: {  	[sflag:s24] =	ssyncset.done $0x0  }
0x108: {  	[sflag:s24] =	ssyncadd.s32 $0xFFFFC000  }
0x109: {  	_ =	swait.ge [sflag:s28], $0x4000  }
0x10a: {  	[sflag:s28] =	ssyncset.done $0x0  }
0x10b: {  	[sflag:s28] =	ssyncadd.s32 $0xFFFFC000  }
0x10c: {  	[tilespmem:s29], [sflag:$0x1] =	stream.indirect.gather [hbm4b:s4+s26], $0x80, s0, s26, $0xb8;
	[tilespmem:$0x1C800] =	vst v63  }
0x10d: {  	_ = 	snop  }
0x10e: {  	[spmem:s2] =	stream.indirect.scatter.add.f32 [tilespmem:s23], [sflag:$0x2], $0x80, s1, s26, $0xb8;
	[tilespmem:$0x1C800] =	vst v63  }
0x10f: {  	_ =	swait.ge [sflag:s24], $0x4000  }
0x110: {  	[sflag:s24] =	ssyncset.done $0x0  }
0x111: {  	[sflag:s24] =	ssyncadd.s32 $0xFFFFC000  }
0x112: {  	_ =	swait.ge [sflag:s28], $0x4000  }
0x113: {  	[sflag:s28] =	ssyncset.done $0x0  }
0x114: {  	[sflag:s28] =	ssyncadd.s32 $0xFFFFC000  }
0x115: {  	[tilespmem:s23], [sflag:$0x1] =	stream.indirect.gather [hbm4b:s4+s26], $0x80, s6, s26, $0xb8;
	[tilespmem:$0x1C800] =	vst v63  }
0x116: {  	_ = 	snop  }
0x117: {  	[spmem:s2] =	stream.indirect.scatter.add.f32 [tilespmem:s29], [sflag:$0x2], $0x80, s7, s26, $0xb8;
	[tilespmem:$0x1C800] =	vst v63  }
0x118: {  	_ =	swait.ge [sflag:s24], $0x4000  }
0x119: {  	[sflag:s24] =	ssyncset.done $0x0  }
0x11a: {  	[sflag:s24] =	ssyncadd.s32 $0xFFFFC000  }
0x11b: {  	_ =	swait.ge [sflag:s28], $0x4000  }
0x11c: {  	[sflag:s28] =	ssyncset.done $0x0  }
0x11d: {  	[sflag:s28] =	ssyncadd.s32 $0xFFFFC000  }
0x11e: {  	[tilespmem:s29], [sflag:$0x1] =	stream.indirect.gather [hbm4b:s4+s26], $0x80, s9, s26, $0xb8;
	[tilespmem:$0x1C800] =	vst v63  }
0x11f: {  	_ = 	snop  }
0x120: {  	[spmem:s2] =	stream.indirect.scatter.add.f32 [tilespmem:s23], [sflag:$0x2], $0x80, s11, s26, $0xb8;
	[tilespmem:$0x1C800] =	vst v63  }
0x121: {  	_ =	swait.ge [sflag:s24], $0x4000  }
0x122: {  	[sflag:s24] =	ssyncset.done $0x0  }
0x123: {  	[sflag:s24] =	ssyncadd.s32 $0xFFFFC000  }
0x124: {  	_ =	swait.ge [sflag:s28], $0x4000  }
0x125: {  	[sflag:s28] =	ssyncset.done $0x0  }
0x126: {  	[sflag:s28] =	ssyncadd.s32 $0xFFFFC000  }
0x127: {  	[tilespmem:s23], [sflag:$0x1] =	stream.indirect.gather [hbm4b:s4+s26], $0x80, s13, s26, $0xb8;
	[tilespmem:$0x1C800] =	vst v63  }
0x128: {  	_ = 	snop  }
0x129: {  	[spmem:s2] =	stream.indirect.scatter.add.f32 [tilespmem:s29], [sflag:$0x2], $0x80, s15, s26, $0xb8;
	[tilespmem:$0x1C800] =	vst v63  }
0x12a: {  	_ =	swait.ge [sflag:s24], $0x4000  }
0x12b: {  	[sflag:s24] =	ssyncset.done $0x0  }
0x12c: {  	[sflag:s24] =	ssyncadd.s32 $0xFFFFC000  }
0x12d: {  	_ =	swait.ge [sflag:s28], $0x4000  }
0x12e: {  	[sflag:s28] =	ssyncset.done $0x0  }
0x12f: {  	[sflag:s28] =	ssyncadd.s32 $0xFFFFC000  }
0x130: {  	[tilespmem:s29], [sflag:$0x1] =	stream.indirect.gather [hbm4b:s4+s26], $0x80, s16, s26, $0xb8;
	[tilespmem:$0x1C800] =	vst v63  }
0x131: {  	_ = 	snop  }
0x132: {  	[spmem:s2] =	stream.indirect.scatter.add.f32 [tilespmem:s23], [sflag:$0x2], $0x80, s17, s26, $0xb8;
	[tilespmem:$0x1C800] =	vst v63  }
0x133: {  	_ =	swait.ge [sflag:s24], $0x4000  }
0x134: {  	[sflag:s24] =	ssyncset.done $0x0  }
0x135: {  	[sflag:s24] =	ssyncadd.s32 $0xFFFFC000  }
0x136: {  	_ =	swait.ge [sflag:s28], $0x4000  }
0x137: {  	[sflag:s28] =	ssyncset.done $0x0  }
0x138: {  	[sflag:s28] =	ssyncadd.s32 $0xFFFFC000  }
0x139: {  	[spmem:s2] =	stream.indirect.scatter.add.f32 [tilespmem:s29], [sflag:$0x2], $0x80, s18, s26, $0xb8;
	[tilespmem:$0x1C800] =	vst v63  }
0x13a: {  	_ =	swait.ge [sflag:s24], $0x4000  }
0x13b: {  	[sflag:s24] =	ssyncset.done $0x0  }
0x13c: {  	[sflag:s24] =	ssyncadd.s32 $0xFFFFC000  }
0x13d: {  	[bflag:$0x0] =	sbarrier.arrive $0xFFFF  }
0x13e: {  	[tilespmem:s23], [sflag:$0x2] =	stream.linear.gather [spmem:s14], $0x4000, $0x38;
	[tilespmem:$0x1C800] =	vst v63  }
0x13f: {  	_ =	swait.ge [sflag:s24], $0x4000  }
0x140: {  	[sflag:s24] =	ssyncset.done $0x0  }
0x141: {  	s8 =	rddreg [dreg:$0x5];
	[sflag:s24] =	ssyncadd.s32 $0xFFFFC000  }
0x142: {  	[hbm4b:s8+s3] =	stream.linear.scatter [tilespmem:s23], [sflag:$0x2], $0x4000, $0x38;
	[tilespmem:$0x1C800] =	vst v63  }
0x143: {  	_ =	swait.ge [sflag:s24], $0x4000  }
0x144: {  	[sflag:s24] =	ssyncset.done $0x0  }
0x145: {  	s8 =	rddreg [dreg:$0x6];
	[sflag:s24] =	ssyncadd.s32 $0xFFFFC000  }
0x146: {  	[tilespmem:s23], [sflag:$0x2] =	stream.linear.gather [spmem:s8], $0x4000, $0x38;
	[tilespmem:$0x1C800] =	vst v63  }
0x147: {  	_ =	swait.ge [sflag:s24], $0x4000  }
0x148: {  	[sflag:s24] =	ssyncset.done $0x0  }
0x149: {  	s10 =	rddreg [dreg:$0x7];
	[sflag:s24] =	ssyncadd.s32 $0xFFFFC000  }
0x14a: {  	[hbm4b:s10+s3] =	stream.linear.scatter [tilespmem:s23], [sflag:$0x2], $0x4000, $0x38;
	[tilespmem:$0x1C800] =	vst v63  }
0x14b: {  	_ =	swait.ge [sflag:s24], $0x4000  }
0x14c: {  	[sflag:s24] =	ssyncset.done $0x0  }
0x14d: {  	s10 =	rddreg [dreg:$0x8];
	[sflag:s24] =	ssyncadd.s32 $0xFFFFC000  }
0x14e: {  	[tilespmem:s23], [sflag:$0x2] =	stream.linear.gather [spmem:s10], $0x4000, $0x38;
	[tilespmem:$0x1C800] =	vst v63  }
0x14f: {  	_ =	swait.ge [sflag:s24], $0x4000  }
0x150: {  	[sflag:s24] =	ssyncset.done $0x0  }
0x151: {  	s12 =	rddreg [dreg:$0x9];
	[sflag:s24] =	ssyncadd.s32 $0xFFFFC000  }
0x152: {  	[hbm4b:s12+s3] =	stream.linear.scatter [tilespmem:s23], [sflag:$0x2], $0x4000, $0x38;
	[tilespmem:$0x1C800] =	vst v63  }
0x153: {  	_ =	swait.ge [sflag:s24], $0x4000  }
0x154: {  	[sflag:s24] =	ssyncset.done $0x0  }
0x155: {  	s12 =	rddreg [dreg:$0xa];
	[sflag:s24] =	ssyncadd.s32 $0xFFFFC000  }
0x156: {  	[tilespmem:s23], [sflag:$0x2] =	stream.linear.gather [spmem:s12], $0x4000, $0x38;
	[tilespmem:$0x1C800] =	vst v63  }
0x157: {  	_ =	swait.ge [sflag:s24], $0x4000  }
0x158: {  	[sflag:s24] =	ssyncset.done $0x0  }
0x159: {  	s20 =	smov.u32 s14;
	s14 =	rddreg [dreg:$0xb];
	[sflag:s24] =	ssyncadd.s32 $0xFFFFC000  }
0x15a: {  	[hbm4b:s14+s3] =	stream.linear.scatter [tilespmem:s23], [sflag:$0x2], $0x4000, $0x38;
	[tilespmem:$0x1C800] =	vst v63  }
0x15b: {  	_ =	swait.ge [sflag:s24], $0x4000  }
0x15c: {  	[sflag:s24] =	ssyncset.done $0x0  }
0x15d: {  	s14 =	rddreg [dreg:$0xc];
	[sflag:s24] =	ssyncadd.s32 $0xFFFFC000  }
0x15e: {  	[tilespmem:s23], [sflag:$0x2] =	stream.linear.gather [spmem:s14], $0x4000, $0x38;
	[tilespmem:$0x1C800] =	vst v63  }
0x15f: {  	_ =	swait.ge [sflag:s24], $0x4000  }
0x160: {  	[sflag:s24] =	ssyncset.done $0x0  }
0x161: {  	s5 =	rddreg [dreg:$0xd];
	[sflag:s24] =	ssyncadd.s32 $0xFFFFC000  }
0x162: {  	[hbm4b:s5+s3] =	stream.linear.scatter [tilespmem:s23], [sflag:$0x2], $0x4000, $0x38;
	[tilespmem:$0x1C800] =	vst v63  }
0x163: {  	_ =	swait.ge [sflag:s24], $0x4000  }
0x164: {  	s19 =	sadd.s32 $0x1, s19;
	s5 =	rddreg [dreg:$0x4]  }
0x165: {  	p0 =	sne.s32 s19, s5  }
.Ltmp1:
0x166: {  	_ = 	snop;
	(pc) =	sbr.rel @p0 .LBB2_1-.Ltmp1, $3  }
0x167: {  	_ =	sdelay $0x1  }
0x168: {  	[sflag:s24] =	ssyncset.done $0x0  }
0x169: {  	[sflag:s24] =	ssyncadd.s32 $0xFFFFC000  }
0x16a: {  	_ =	sfence.sel $0x180000  }
0x16b: {  	[bflag:$0x0] =	sbarrier.arrive $0xFFFF  }
0x16c: {  	_ =	strace $0x90000047  }
0x16d: {  	s0 =	stileid.u32;
	[bflag:$0x2] =	sbarrier.arrive $0xFFFF  }
0x16e: {  	p0 =	sne.s32 s0, $0x0;
	s0 =	rddreg [dreg:$0x3]  }
0x16f: {  	s0 =	sadd.s32 @!p0 $0x100000, s0  }
0x170: {  	[sflag:s0] =	ssyncadd.tile.s32 @!p0 $0x1;
	_ =	shalt  }
.Lfunc_end2:
_tile_overlayer_lowered:
.L_overlay_start_2:
0x171: {  	(tag) =	ssettag $0x2  }
0x172: {  	s0 =	rddreg [dreg:$0x0];
	s2 =	stileid.u32  }
0x173: {  	s1 =	rddreg [dreg:$0x1];
	p0 =	sne.s32 s2, $0x0  }
0x174: {  	s3 =	rddreg [dreg:$0x2];
	[bflag:$0x3] =	sbarrier.arrive $0xFFFF;
	s2 =	simm.s32 @!p0 $0x1C02  }
0x175: {  	[timem:s3], [sflag:s2] =	dma.local @!p0 [hbm:s0], s1  }
0x176: {  	s0 =	simm.s32 @!p0 $0x2  }
0x177: {  	_ =	swait.ge @!p0 [sflag:s0], s1  }
0x178: {  	s1 =	ssub.s32 @!p0 $0x0, s1;
	[sflag:s0] =	ssyncset.done @!p0 $0x0  }
0x179: {  	[sflag:s0] =	ssyncadd.s32 @!p0 s1  }
0x17a: {  	[bflag:$0x3] =	sbarrier.arrive $0xFFFF  }
0x17b: {  	_ =	shalt  }

</sc_bundles>
